<compile_context>
chip_gen: v7x
topology: tpu7x:2x2x1
jax: 0.10.2.dev20260603
libtpu: 0.0.44.dev20260713+nightly
codegen_flags: <defaults>
</compile_context>

<pallas_src>
import functools

import jax
import jax.numpy as jnp
from jax import lax
from jax.experimental import pallas as pl
from jax.experimental.pallas import tpu as pltpu
from jax.experimental.pallas import tpu_sc as plsc

R = 2048
N = 50176
K = 128
NW = 32
RPW = R // NW
NV = N // 16
CAP = 4096
L = 16

_MESH = plsc.VectorSubcoreMesh(core_axis_name="c", subcore_axis_name="s")


def _key_from_f32(v):
    k = plsc.bitcast(v, jnp.int32)
    return jnp.where(k < 0, k ^ jnp.int32(0x7FFFFFFF), k)


def _sc_body(x_hbm, pos_hbm, out_hbm, rowbuf, idxbuf, keybuf, outval,
             outidx, posbuf, sem):
    wid = lax.axis_index("s") * 2 + lax.axis_index("c")
    iota = lax.iota(jnp.int32, L)
    zero16 = jnp.zeros((L,), jnp.int32)
    neg_inf = jnp.full((L,), -jnp.inf, jnp.float32)

    pltpu.async_copy(x_hbm.at[wid * RPW], rowbuf.at[pl.ds(0, N)], sem)

    @pl.loop(0, RPW)
    def _row_loop(j):
        row = wid * RPW + j

        @pl.when(j + 1 < RPW)
        def _():
            pltpu.async_copy(x_hbm.at[row + 1],
                             rowbuf.at[pl.ds(((j + 1) % 2) * N, N)], sem)

        pltpu.make_async_copy(x_hbm.at[row],
                              rowbuf.at[pl.ds((j % 2) * N, N)], sem).wait()
        rb = rowbuf.at[pl.ds((j % 2) * N, N)]

        @pl.loop(0, NV // 8, init_carry=tuple(neg_inf for _ in range(8)), unroll=2)
        def _maxes(i, carry):
            base = i * (8 * L)
            return tuple(
                jnp.maximum(carry[u], rb[pl.ds(base + u * L, L)])
                for u in range(8)
            )

        m = list(_maxes)
        for st in (4, 2, 1):
            for u in range(st):
                m[u] = jnp.minimum(m[u], m[u + st])
        t = jnp.min(m[0])
        mx = list(_maxes)
        for st in (4, 2, 1):
            for u in range(st):
                mx[u] = jnp.maximum(mx[u], mx[u + st])
        key_hi = jnp.max(_key_from_f32(mx[0]))
        key_lo = jnp.min(_key_from_f32(m[0]))

        @plsc.parallel_loop(0, NV, unroll=12, carry=zero16)
        def _filt(v, ptrv):
            vals = rb[pl.ds(v * L, L)]
            mge = vals >= t
            cum = plsc.cumsum(mge.astype(jnp.int32))
            pos = ptrv + cum - 1
            okw = mge & (pos < CAP)
            plsc.store_scatter(idxbuf, [pos], iota + v * L, mask=okw)
            return ptrv + plsc.all_reduce_population_count(mge)

        c_cnt = jnp.minimum(jnp.max(_filt), CAP)
        nv = (c_cnt + (L - 1)) // L

        @plsc.parallel_loop(0, nv)
        def _keys(g):
            lanes = iota + g * L
            lm = lanes < c_cnt
            iv = jnp.where(lm, idxbuf[pl.ds(g * L, L)], 0)
            vals = plsc.load_gather(rb, [iv])
            key = _key_from_f32(vals)
            keybuf[pl.ds(g * L, L)] = jnp.where(lm, key,
                                                jnp.int32(-0x80000000))

        def _count_gt(pivot):
            @plsc.parallel_loop(0, nv, carry=zero16)
            def _cnt(g, acc):
                kv = keybuf[pl.ds(g * L, L)]
                return acc + plsc.all_reduce_population_count(kv > pivot)
            return jnp.max(_cnt)

        def _bs_cond(s):
            lo, hi = s
            return hi - lo > 1

        def _bs_body(s):
            lo, hi = s
            mid = lo + ((hi - lo) >> 1)
            big = _count_gt(mid) >= K
            return (jnp.where(big, mid, lo), jnp.where(big, hi, mid))

        _, vstar = lax.while_loop(_bs_cond, _bs_body, (key_lo - 1, key_hi))
        g_cnt = _count_gt(vstar)
        b_allow = K - g_cnt

        jsplat = zero16 + j

        @plsc.parallel_loop(0, nv, carry=(zero16, zero16))
        def _sel(g, carry):
            ptrv, tiev = carry
            kv = keybuf[pl.ds(g * L, L)]
            gtm = kv > vstar
            eqm = kv == vstar
            cum_t = tiev + plsc.cumsum(eqm.astype(jnp.int32))
            selm = gtm | (eqm & (cum_t <= b_allow))
            posn = ptrv + plsc.cumsum(selm.astype(jnp.int32)) - 1
            vals = plsc.bitcast(jnp.where(kv < 0, kv ^ jnp.int32(0x7FFFFFFF),
                                          kv), jnp.float32)
            iv = idxbuf[pl.ds(g * L, L)]
            plsc.store_scatter(outidx, [jsplat, posn], iv, mask=selm)
            plsc.store_scatter(outval, [jsplat, posn], vals, mask=selm)
            return (ptrv + plsc.all_reduce_population_count(selm),
                    tiev + plsc.all_reduce_population_count(eqm))

    @pl.loop(0, RPW)
    def _pe_loop(j):
        pltpu.sync_copy(pos_hbm.at[outidx.at[j]], posbuf)
        ov = outval.at[j]

        @pl.loop(0, K // L)
        def _add(u):
            s = pl.ds(u * L, L)
            ov[s] = ov[s] + posbuf[s]

    pltpu.sync_copy(outval, out_hbm.at[pl.ds(wid * RPW, RPW)])


@jax.jit
def _run(x2, posf):
    f = pl.kernel(
        _sc_body,
        out_type=jax.ShapeDtypeStruct((R, K), jnp.float32),
        mesh=_MESH,
        scratch_types=[
            pltpu.VMEM((2 * N,), jnp.float32),
            pltpu.VMEM((CAP,), jnp.int32),
            pltpu.VMEM((CAP,), jnp.int32),
            pltpu.VMEM((RPW, K), jnp.float32),
            pltpu.VMEM((RPW, K), jnp.int32),
            pltpu.VMEM((K,), jnp.float32),
            pltpu.SemaphoreType.DMA,
        ],
        compiler_params=pltpu.CompilerParams(needs_layout_passes=False, use_tc_tiling_on_sc=True),
    )
    return f(x2, posf)


def kernel(x, pos_enc):
    b, c, h, w = x.shape
    out = _run(x.reshape(b * c, h * w), pos_enc.reshape(h * w))
    return out.reshape(b, c, K)

# --- scband reference (transcript-rebuilt; emitter-appended) ---
"""Pipeline reference for scband-positional-encoding-62938450756192 (READ-ONLY COPY).

The authoritative reference and input builder live on the scoring server;
editing this copy changes nothing except your own understanding.
"""

import jax, jax.numpy as jnp
import numpy as np
import math

MP = {64: 512, 128: 256, 256: 128, 512: 64, 1024: 32}


def make_pos_enc(image_size, embedding_size):
    pos_enc = np.zeros((image_size, embedding_size), dtype=np.float32)
    position = np.arange(0, image_size, dtype=np.float32)[:, None]
    div_term = np.exp(np.arange(0, embedding_size, 2, dtype=np.float32) * (-math.log(10000.0) / embedding_size))
    pos_enc[:, 0::2] = np.sin(position * div_term)
    pos_enc[:, 1::2] = np.cos(position * div_term)
    return jnp.asarray(pos_enc)


def setup_inputs(seed: int = 0):
    key = jax.random.key(seed)
    x = jax.random.normal(key, (8, 256, 224, 224), dtype=jnp.float32)
    pos_enc = make_pos_enc(224, 224)
    return {"x": x, "pos_enc": pos_enc}


def reference(x, pos_enc):
    b, c, h, w = x.shape
    k = MP[c]
    max_feature = x.reshape(b, c, h * w)
    _, topk_indices = jax.lax.top_k(max_feature, k)
    topk_indices = jnp.sort(topk_indices, axis=2)
    max_feature = jnp.take_along_axis(max_feature, topk_indices, axis=2)
    indices_x = topk_indices // w
    indices_y = topk_indices % w
    pos_embed = pos_enc[indices_x, indices_y]
    return pos_embed + max_feature

if __name__ == "__main__":
    import jax
    _d = setup_inputs()
    print(jax.jit(kernel)(*tuple(_d.values())))

</pallas_src>

<mosaic_0001>
#map = affine_map<(d0, d1) -> (0, 0)>
#map1 = affine_map<(d0, d1) -> (0)>
module attributes {stable_mosaic.version = 14 : i64} {
  func.func @_sc_body(%arg0: i32, %arg1: i32, %arg2: memref<2048x50176xf32, #tpu.memory_space<hbm>>, %arg3: memref<50176xf32, #tpu.memory_space<hbm>>, %arg4: memref<2048x128xf32, #tpu.memory_space<hbm>>, %arg5: memref<100352xf32, #tpu.memory_space<vmem>>, %arg6: memref<4096xi32, #tpu.memory_space<vmem>>, %arg7: memref<4096xi32, #tpu.memory_space<vmem>>, %arg8: memref<64x128xf32, #tpu.memory_space<vmem>>, %arg9: memref<64x128xi32, #tpu.memory_space<vmem>>, %arg10: memref<128xf32, #tpu.memory_space<vmem>>, %arg11: memref<!tpu.dma_semaphore, #tpu.memory_space<semaphore_mem>>) attributes {dimension_semantics = [#tpu.dimension_semantics<core_parallel>, #tpu.dimension_semantics<subcore_parallel>], iteration_bounds = array<i64: 2, 16>, scalar_prefetch = 0 : i64, scratch_operands = 7 : i64, tpu.core_type = #tpu.core_type<sc_vector_subcore>, window_params = [{transform_indices = #map}, {transform_indices = #map1}, {transform_indices = #map}]} {
    %mul3A = arith.constant 2 : i32
    %mul3A_0 = arith.muli %arg1, %mul3A : i32
    %add3A = arith.addi %mul3A_0, %arg0 : i32
    %iota3A = tpu.iota {dimensions = array<i32: 0>} : vector<16xi32>
    %broadcast_in_dim3A = arith.constant 0 : i32
    %broadcast_in_dim3A_1 = vector.broadcast %broadcast_in_dim3A : i32 to vector<16xi32>
    %broadcast_in_dim3A_2 = arith.constant 0xFF800000 : f32
    %broadcast_in_dim3A_3 = vector.broadcast %broadcast_in_dim3A_2 : f32 to vector<16xf32>
    %mul3A_4 = arith.constant 64 : i32
    %mul3A_5 = arith.muli %add3A, %mul3A_4 : i32
    %dma_start3A = arith.constant 0 : i32
    %dma_start3A_6 = tpu.memref_slice %arg5[%dma_start3A] : memref<100352xf32, #tpu.memory_space<vmem>> -> memref<50176xf32, #tpu.memory_space<vmem>>
    %dma_start3A_7 = arith.constant 0 : i32
    %dma_start3A_8 = tpu.memref_slice %arg2[%mul3A_5, %dma_start3A_7] : memref<2048x50176xf32, #tpu.memory_space<hbm>> -> memref<1x50176xf32, #tpu.memory_space<hbm>>
    %dma_start3A_9 = tpu.memref_squeeze %dma_start3A_8 : memref<1x50176xf32, #tpu.memory_space<hbm>> -> memref<50176xf32, #tpu.memory_space<hbm>>
    %dma_start3A_10 = arith.constant 0 : i32
    %dma_start3A_11 = tpu.memref_slice %arg5[%dma_start3A_10] : memref<100352xf32, #tpu.memory_space<vmem>> -> memref<50176xf32, #tpu.memory_space<vmem>>
    %dma_start3A_12 = arith.constant 0 : i32
    %dma_start3A_13 = tpu.memref_slice %arg2[%mul3A_5, %dma_start3A_12] : memref<2048x50176xf32, #tpu.memory_space<hbm>> -> memref<1x50176xf32, #tpu.memory_space<hbm>>
    %dma_start3A_14 = tpu.memref_squeeze %dma_start3A_13 : memref<1x50176xf32, #tpu.memory_space<hbm>> -> memref<50176xf32, #tpu.memory_space<hbm>>
    tpu.enqueue_dma source(%dma_start3A_14 : memref<50176xf32, #tpu.memory_space<hbm>>) target(%dma_start3A_11 : memref<50176xf32, #tpu.memory_space<vmem>>) target_semaphore(%arg11 : memref<!tpu.dma_semaphore, #tpu.memory_space<semaphore_mem>>)
    %scan3A = arith.constant 0 : i32
    %scan3A_15 = arith.constant 64 : i32
    %scan3A_16 = arith.addi %scan3A, %scan3A_15 : i32
    %scan3A_17 = arith.constant 1 : i32
    scf.for %scan3A_26 = %scan3A to %scan3A_16 step %scan3A_17  : i32 {
      %mul3A_27 = arith.constant 1 : i32
      %mul3A_28 = arith.muli %scan3A_26, %mul3A_27 : i32
      %add3A_29 = arith.constant 0 : i32
      %add3A_30 = arith.addi %add3A_29, %mul3A_28 : i32
      %mul3A_31 = arith.constant 64 : i32
      %mul3A_32 = arith.muli %add3A, %mul3A_31 : i32
      %add3A_33 = arith.addi %mul3A_32, %add3A_30 : i32
      %add3A_34 = arith.constant 1 : i32
      %add3A_35 = arith.addi %add3A_30, %add3A_34 : i32
      %lt3A = arith.constant 64 : i32
      %lt3A_36 = arith.cmpi slt, %add3A_35, %lt3A : i32
      %convert_element_type3A = arith.extui %lt3A_36 : i1 to i32
      %cond3A = arith.constant 0 : i32
      %cond3A_37 = arith.cmpi ne, %convert_element_type3A, %cond3A : i32
      scf.if %cond3A_37 {
        %add3A_183 = arith.constant 1 : i32
        %add3A_184 = arith.addi %add3A_33, %add3A_183 : i32
        %add3A_185 = arith.constant 1 : i32
        %add3A_186 = arith.addi %add3A_30, %add3A_185 : i32
        %jit3A_187 = arith.constant 2 : i32
        %eq3A_188 = arith.constant 0 : i32
        %eq3A_189 = arith.cmpi eq, %jit3A_187, %eq3A_188 : i32
        %jit3A_190 = arith.constant 1 : i32
        %select_n3A_191 = arith.select %eq3A_189, %jit3A_190, %jit3A_187 : i32
        %rem3A_192 = arith.remsi %add3A_186, %select_n3A_191 : i32
        %ne3A_193 = arith.constant 0 : i32
        %ne3A_194 = arith.cmpi ne, %rem3A_192, %ne3A_193 : i32
        %lt3A_195 = arith.constant 0 : i32
        %lt3A_196 = arith.cmpi slt, %rem3A_192, %lt3A_195 : i32
        %lt3A_197 = arith.constant 0 : i32
        %lt3A_198 = arith.cmpi slt, %select_n3A_191, %lt3A_197 : i32
        %ne3A_199 = arith.xori %lt3A_196, %lt3A_198 : i1
        %and3A_200 = arith.andi %ne3A_199, %ne3A_194 : i1
        %add3A_201 = arith.addi %rem3A_192, %select_n3A_191 : i32
        %select_n3A_202 = arith.select %and3A_200, %add3A_201, %rem3A_192 : i32
        %mul3A_203 = arith.constant 50176 : i32
        %mul3A_204 = arith.muli %select_n3A_202, %mul3A_203 : i32
        %dma_start3A_205 = tpu.memref_slice %arg5[%mul3A_204] : memref<100352xf32, #tpu.memory_space<vmem>> -> memref<50176xf32, #tpu.memory_space<vmem>>
        %dma_start3A_206 = arith.constant 0 : i32
        %dma_start3A_207 = tpu.memref_slice %arg2[%add3A_184, %dma_start3A_206] : memref<2048x50176xf32, #tpu.memory_space<hbm>> -> memref<1x50176xf32, #tpu.memory_space<hbm>>
        %dma_start3A_208 = tpu.memref_squeeze %dma_start3A_207 : memref<1x50176xf32, #tpu.memory_space<hbm>> -> memref<50176xf32, #tpu.memory_space<hbm>>
        %dma_start3A_209 = tpu.memref_slice %arg5[%mul3A_204] : memref<100352xf32, #tpu.memory_space<vmem>> -> memref<50176xf32, #tpu.memory_space<vmem>>
        %dma_start3A_210 = arith.constant 0 : i32
        %dma_start3A_211 = tpu.memref_slice %arg2[%add3A_184, %dma_start3A_210] : memref<2048x50176xf32, #tpu.memory_space<hbm>> -> memref<1x50176xf32, #tpu.memory_space<hbm>>
        %dma_start3A_212 = tpu.memref_squeeze %dma_start3A_211 : memref<1x50176xf32, #tpu.memory_space<hbm>> -> memref<50176xf32, #tpu.memory_space<hbm>>
        tpu.enqueue_dma source(%dma_start3A_212 : memref<50176xf32, #tpu.memory_space<hbm>>) target(%dma_start3A_209 : memref<50176xf32, #tpu.memory_space<vmem>>) target_semaphore(%arg11 : memref<!tpu.dma_semaphore, #tpu.memory_space<semaphore_mem>>)
      } else {
      }
      %jit3A = arith.constant 2 : i32
      %eq3A = arith.constant 0 : i32
      %eq3A_38 = arith.cmpi eq, %jit3A, %eq3A : i32
      %jit3A_39 = arith.constant 1 : i32
      %select_n3A = arith.select %eq3A_38, %jit3A_39, %jit3A : i32
      %rem3A = arith.remsi %add3A_30, %select_n3A : i32
      %ne3A = arith.constant 0 : i32
      %ne3A_40 = arith.cmpi ne, %rem3A, %ne3A : i32
      %lt3A_41 = arith.constant 0 : i32
      %lt3A_42 = arith.cmpi slt, %rem3A, %lt3A_41 : i32
      %lt3A_43 = arith.constant 0 : i32
      %lt3A_44 = arith.cmpi slt, %select_n3A, %lt3A_43 : i32
      %ne3A_45 = arith.xori %lt3A_42, %lt3A_44 : i1
      %and3A = arith.andi %ne3A_45, %ne3A_40 : i1
      %add3A_46 = arith.addi %rem3A, %select_n3A : i32
      %select_n3A_47 = arith.select %and3A, %add3A_46, %rem3A : i32
      %mul3A_48 = arith.constant 50176 : i32
      %mul3A_49 = arith.muli %select_n3A_47, %mul3A_48 : i32
      %dma_wait3A = tpu.memref_slice %arg5[%mul3A_49] : memref<100352xf32, #tpu.memory_space<vmem>> -> memref<50176xf32, #tpu.memory_space<vmem>>
      %dma_wait3A_50 = arith.constant 0 : i32
      %dma_wait3A_51 = tpu.memref_slice %arg2[%add3A_33, %dma_wait3A_50] : memref<2048x50176xf32, #tpu.memory_space<hbm>> -> memref<1x50176xf32, #tpu.memory_space<hbm>>
      %dma_wait3A_52 = tpu.memref_squeeze %dma_wait3A_51 : memref<1x50176xf32, #tpu.memory_space<hbm>> -> memref<50176xf32, #tpu.memory_space<hbm>>
      %dma_wait3A_53 = tpu.memref_slice %arg5[%mul3A_49] : memref<100352xf32, #tpu.memory_space<vmem>> -> memref<50176xf32, #tpu.memory_space<vmem>>
      %dma_wait3A_54 = arith.constant 0 : i32
      %dma_wait3A_55 = tpu.memref_slice %arg2[%add3A_33, %dma_wait3A_54] : memref<2048x50176xf32, #tpu.memory_space<hbm>> -> memref<1x50176xf32, #tpu.memory_space<hbm>>
      %dma_wait3A_56 = tpu.memref_squeeze %dma_wait3A_55 : memref<1x50176xf32, #tpu.memory_space<hbm>> -> memref<50176xf32, #tpu.memory_space<hbm>>
      tpu.wait_dma2 semaphore(%arg11 : memref<!tpu.dma_semaphore, #tpu.memory_space<semaphore_mem>>) src(%dma_wait3A_56 : memref<50176xf32, #tpu.memory_space<hbm>>) dst(%dma_wait3A_53 : memref<50176xf32, #tpu.memory_space<vmem>>)
      %jit3A_57 = arith.constant 2 : i32
      %eq3A_58 = arith.constant 0 : i32
      %eq3A_59 = arith.cmpi eq, %jit3A_57, %eq3A_58 : i32
      %jit3A_60 = arith.constant 1 : i32
      %select_n3A_61 = arith.select %eq3A_59, %jit3A_60, %jit3A_57 : i32
      %rem3A_62 = arith.remsi %add3A_30, %select_n3A_61 : i32
      %ne3A_63 = arith.constant 0 : i32
      %ne3A_64 = arith.cmpi ne, %rem3A_62, %ne3A_63 : i32
      %lt3A_65 = arith.constant 0 : i32
      %lt3A_66 = arith.cmpi slt, %rem3A_62, %lt3A_65 : i32
      %lt3A_67 = arith.constant 0 : i32
      %lt3A_68 = arith.cmpi slt, %select_n3A_61, %lt3A_67 : i32
      %ne3A_69 = arith.xori %lt3A_66, %lt3A_68 : i1
      %and3A_70 = arith.andi %ne3A_69, %ne3A_64 : i1
      %add3A_71 = arith.addi %rem3A_62, %select_n3A_61 : i32
      %select_n3A_72 = arith.select %and3A_70, %add3A_71, %rem3A_62 : i32
      %mul3A_73 = arith.constant 50176 : i32
      %mul3A_74 = arith.muli %select_n3A_72, %mul3A_73 : i32
      %scan3A_75 = arith.constant 0 : i32
      %scan3A_76 = arith.constant 392 : i32
      %scan3A_77 = arith.addi %scan3A_75, %scan3A_76 : i32
      %scan3A_78 = arith.constant 2 : i32
      %scan3A_79:8 = scf.for %scan3A_183 = %scan3A_75 to %scan3A_77 step %scan3A_78 iter_args(%scan3A_184 = %broadcast_in_dim3A_3, %scan3A_185 = %broadcast_in_dim3A_3, %scan3A_186 = %broadcast_in_dim3A_3, %scan3A_187 = %broadcast_in_dim3A_3, %scan3A_188 = %broadcast_in_dim3A_3, %scan3A_189 = %broadcast_in_dim3A_3, %scan3A_190 = %broadcast_in_dim3A_3, %scan3A_191 = %broadcast_in_dim3A_3) -> (vector<16xf32>, vector<16xf32>, vector<16xf32>, vector<16xf32>, vector<16xf32>, vector<16xf32>, vector<16xf32>, vector<16xf32>)  : i32 {
        %mul3A_192 = arith.constant 1 : i32
        %mul3A_193 = arith.muli %scan3A_183, %mul3A_192 : i32
        %add3A_194 = arith.constant 0 : i32
        %add3A_195 = arith.addi %add3A_194, %mul3A_193 : i32
        %mul3A_196 = arith.constant 128 : i32
        %mul3A_197 = arith.muli %add3A_195, %mul3A_196 : i32
        %add3A_198 = arith.constant 0 : i32
        %add3A_199 = arith.addi %mul3A_197, %add3A_198 : i32
        %get3A = tpu.memref_slice %arg5[%mul3A_74] : memref<100352xf32, #tpu.memory_space<vmem>> -> memref<50176xf32, #tpu.memory_space<vmem>>
        %get3A_200 = arith.index_cast %add3A_199 : i32 to index
        %get3A_201 = tpu.vector_load %get3A[%get3A_200] {strides = array<i32>} : memref<50176xf32, #tpu.memory_space<vmem>>, vector<16xf32>,
        %max3A_202 = arith.maximumf %scan3A_184, %get3A_201 : vector<16xf32>
        %add3A_203 = arith.constant 16 : i32
        %add3A_204 = arith.addi %mul3A_197, %add3A_203 : i32
        %get3A_205 = tpu.memref_slice %arg5[%mul3A_74] : memref<100352xf32, #tpu.memory_space<vmem>> -> memref<50176xf32, #tpu.memory_space<vmem>>
        %get3A_206 = arith.index_cast %add3A_204 : i32 to index
        %get3A_207 = tpu.vector_load %get3A_205[%get3A_206] {strides = array<i32>} : memref<50176xf32, #tpu.memory_space<vmem>>, vector<16xf32>,
        %max3A_208 = arith.maximumf %scan3A_185, %get3A_207 : vector<16xf32>
        %add3A_209 = arith.constant 32 : i32
        %add3A_210 = arith.addi %mul3A_197, %add3A_209 : i32
        %get3A_211 = tpu.memref_slice %arg5[%mul3A_74] : memref<100352xf32, #tpu.memory_space<vmem>> -> memref<50176xf32, #tpu.memory_space<vmem>>
        %get3A_212 = arith.index_cast %add3A_210 : i32 to index
        %get3A_213 = tpu.vector_load %get3A_211[%get3A_212] {strides = array<i32>} : memref<50176xf32, #tpu.memory_space<vmem>>, vector<16xf32>,
        %max3A_214 = arith.maximumf %scan3A_186, %get3A_213 : vector<16xf32>
        %add3A_215 = arith.constant 48 : i32
        %add3A_216 = arith.addi %mul3A_197, %add3A_215 : i32
        %get3A_217 = tpu.memref_slice %arg5[%mul3A_74] : memref<100352xf32, #tpu.memory_space<vmem>> -> memref<50176xf32, #tpu.memory_space<vmem>>
        %get3A_218 = arith.index_cast %add3A_216 : i32 to index
        %get3A_219 = tpu.vector_load %get3A_217[%get3A_218] {strides = array<i32>} : memref<50176xf32, #tpu.memory_space<vmem>>, vector<16xf32>,
        %max3A_220 = arith.maximumf %scan3A_187, %get3A_219 : vector<16xf32>
        %add3A_221 = arith.constant 64 : i32
        %add3A_222 = arith.addi %mul3A_197, %add3A_221 : i32
        %get3A_223 = tpu.memref_slice %arg5[%mul3A_74] : memref<100352xf32, #tpu.memory_space<vmem>> -> memref<50176xf32, #tpu.memory_space<vmem>>
        %get3A_224 = arith.index_cast %add3A_222 : i32 to index
        %get3A_225 = tpu.vector_load %get3A_223[%get3A_224] {strides = array<i32>} : memref<50176xf32, #tpu.memory_space<vmem>>, vector<16xf32>,
        %max3A_226 = arith.maximumf %scan3A_188, %get3A_225 : vector<16xf32>
        %add3A_227 = arith.constant 80 : i32
        %add3A_228 = arith.addi %mul3A_197, %add3A_227 : i32
        %get3A_229 = tpu.memref_slice %arg5[%mul3A_74] : memref<100352xf32, #tpu.memory_space<vmem>> -> memref<50176xf32, #tpu.memory_space<vmem>>
        %get3A_230 = arith.index_cast %add3A_228 : i32 to index
        %get3A_231 = tpu.vector_load %get3A_229[%get3A_230] {strides = array<i32>} : memref<50176xf32, #tpu.memory_space<vmem>>, vector<16xf32>,
        %max3A_232 = arith.maximumf %scan3A_189, %get3A_231 : vector<16xf32>
        %add3A_233 = arith.constant 96 : i32
        %add3A_234 = arith.addi %mul3A_197, %add3A_233 : i32
        %get3A_235 = tpu.memref_slice %arg5[%mul3A_74] : memref<100352xf32, #tpu.memory_space<vmem>> -> memref<50176xf32, #tpu.memory_space<vmem>>
        %get3A_236 = arith.index_cast %add3A_234 : i32 to index
        %get3A_237 = tpu.vector_load %get3A_235[%get3A_236] {strides = array<i32>} : memref<50176xf32, #tpu.memory_space<vmem>>, vector<16xf32>,
        %max3A_238 = arith.maximumf %scan3A_190, %get3A_237 : vector<16xf32>
        %add3A_239 = arith.constant 112 : i32
        %add3A_240 = arith.addi %mul3A_197, %add3A_239 : i32
        %get3A_241 = tpu.memref_slice %arg5[%mul3A_74] : memref<100352xf32, #tpu.memory_space<vmem>> -> memref<50176xf32, #tpu.memory_space<vmem>>
        %get3A_242 = arith.index_cast %add3A_240 : i32 to index
        %get3A_243 = tpu.vector_load %get3A_241[%get3A_242] {strides = array<i32>} : memref<50176xf32, #tpu.memory_space<vmem>>, vector<16xf32>,
        %max3A_244 = arith.maximumf %scan3A_191, %get3A_243 : vector<16xf32>
        %scan3A_245 = arith.constant 1 : i32
        %scan3A_246 = arith.addi %scan3A_183, %scan3A_245 : i32
        %mul3A_247 = arith.constant 1 : i32
        %mul3A_248 = arith.muli %scan3A_246, %mul3A_247 : i32
        %add3A_249 = arith.constant 0 : i32
        %add3A_250 = arith.addi %add3A_249, %mul3A_248 : i32
        %mul3A_251 = arith.constant 128 : i32
        %mul3A_252 = arith.muli %add3A_250, %mul3A_251 : i32
        %add3A_253 = arith.constant 0 : i32
        %add3A_254 = arith.addi %mul3A_252, %add3A_253 : i32
        %get3A_255 = tpu.memref_slice %arg5[%mul3A_74] : memref<100352xf32, #tpu.memory_space<vmem>> -> memref<50176xf32, #tpu.memory_space<vmem>>
        %get3A_256 = arith.index_cast %add3A_254 : i32 to index
        %get3A_257 = tpu.vector_load %get3A_255[%get3A_256] {strides = array<i32>} : memref<50176xf32, #tpu.memory_space<vmem>>, vector<16xf32>,
        %max3A_258 = arith.maximumf %max3A_202, %get3A_257 : vector<16xf32>
        %add3A_259 = arith.constant 16 : i32
        %add3A_260 = arith.addi %mul3A_252, %add3A_259 : i32
        %get3A_261 = tpu.memref_slice %arg5[%mul3A_74] : memref<100352xf32, #tpu.memory_space<vmem>> -> memref<50176xf32, #tpu.memory_space<vmem>>
        %get3A_262 = arith.index_cast %add3A_260 : i32 to index
        %get3A_263 = tpu.vector_load %get3A_261[%get3A_262] {strides = array<i32>} : memref<50176xf32, #tpu.memory_space<vmem>>, vector<16xf32>,
        %max3A_264 = arith.maximumf %max3A_208, %get3A_263 : vector<16xf32>
        %add3A_265 = arith.constant 32 : i32
        %add3A_266 = arith.addi %mul3A_252, %add3A_265 : i32
        %get3A_267 = tpu.memref_slice %arg5[%mul3A_74] : memref<100352xf32, #tpu.memory_space<vmem>> -> memref<50176xf32, #tpu.memory_space<vmem>>
        %get3A_268 = arith.index_cast %add3A_266 : i32 to index
        %get3A_269 = tpu.vector_load %get3A_267[%get3A_268] {strides = array<i32>} : memref<50176xf32, #tpu.memory_space<vmem>>, vector<16xf32>,
        %max3A_270 = arith.maximumf %max3A_214, %get3A_269 : vector<16xf32>
        %add3A_271 = arith.constant 48 : i32
        %add3A_272 = arith.addi %mul3A_252, %add3A_271 : i32
        %get3A_273 = tpu.memref_slice %arg5[%mul3A_74] : memref<100352xf32, #tpu.memory_space<vmem>> -> memref<50176xf32, #tpu.memory_space<vmem>>
        %get3A_274 = arith.index_cast %add3A_272 : i32 to index
        %get3A_275 = tpu.vector_load %get3A_273[%get3A_274] {strides = array<i32>} : memref<50176xf32, #tpu.memory_space<vmem>>, vector<16xf32>,
        %max3A_276 = arith.maximumf %max3A_220, %get3A_275 : vector<16xf32>
        %add3A_277 = arith.constant 64 : i32
        %add3A_278 = arith.addi %mul3A_252, %add3A_277 : i32
        %get3A_279 = tpu.memref_slice %arg5[%mul3A_74] : memref<100352xf32, #tpu.memory_space<vmem>> -> memref<50176xf32, #tpu.memory_space<vmem>>
        %get3A_280 = arith.index_cast %add3A_278 : i32 to index
        %get3A_281 = tpu.vector_load %get3A_279[%get3A_280] {strides = array<i32>} : memref<50176xf32, #tpu.memory_space<vmem>>, vector<16xf32>,
        %max3A_282 = arith.maximumf %max3A_226, %get3A_281 : vector<16xf32>
        %add3A_283 = arith.constant 80 : i32
        %add3A_284 = arith.addi %mul3A_252, %add3A_283 : i32
        %get3A_285 = tpu.memref_slice %arg5[%mul3A_74] : memref<100352xf32, #tpu.memory_space<vmem>> -> memref<50176xf32, #tpu.memory_space<vmem>>
        %get3A_286 = arith.index_cast %add3A_284 : i32 to index
        %get3A_287 = tpu.vector_load %get3A_285[%get3A_286] {strides = array<i32>} : memref<50176xf32, #tpu.memory_space<vmem>>, vector<16xf32>,
        %max3A_288 = arith.maximumf %max3A_232, %get3A_287 : vector<16xf32>
        %add3A_289 = arith.constant 96 : i32
        %add3A_290 = arith.addi %mul3A_252, %add3A_289 : i32
        %get3A_291 = tpu.memref_slice %arg5[%mul3A_74] : memref<100352xf32, #tpu.memory_space<vmem>> -> memref<50176xf32, #tpu.memory_space<vmem>>
        %get3A_292 = arith.index_cast %add3A_290 : i32 to index
        %get3A_293 = tpu.vector_load %get3A_291[%get3A_292] {strides = array<i32>} : memref<50176xf32, #tpu.memory_space<vmem>>, vector<16xf32>,
        %max3A_294 = arith.maximumf %max3A_238, %get3A_293 : vector<16xf32>
        %add3A_295 = arith.constant 112 : i32
        %add3A_296 = arith.addi %mul3A_252, %add3A_295 : i32
        %get3A_297 = tpu.memref_slice %arg5[%mul3A_74] : memref<100352xf32, #tpu.memory_space<vmem>> -> memref<50176xf32, #tpu.memory_space<vmem>>
        %get3A_298 = arith.index_cast %add3A_296 : i32 to index
        %get3A_299 = tpu.vector_load %get3A_297[%get3A_298] {strides = array<i32>} : memref<50176xf32, #tpu.memory_space<vmem>>, vector<16xf32>,
        %max3A_300 = arith.maximumf %max3A_244, %get3A_299 : vector<16xf32>
        scf.yield %max3A_258, %max3A_264, %max3A_270, %max3A_276, %max3A_282, %max3A_288, %max3A_294, %max3A_300 : vector<16xf32>, vector<16xf32>, vector<16xf32>, vector<16xf32>, vector<16xf32>, vector<16xf32>, vector<16xf32>, vector<16xf32>
      }
      %scan3A_80 = arith.constant 392 : i32
      %min3A = arith.minimumf %scan3A_79#0, %scan3A_79#4 : vector<16xf32>
      %min3A_81 = arith.minimumf %scan3A_79#1, %scan3A_79#5 : vector<16xf32>
      %min3A_82 = arith.minimumf %scan3A_79#2, %scan3A_79#6 : vector<16xf32>
      %min3A_83 = arith.minimumf %scan3A_79#3, %scan3A_79#7 : vector<16xf32>
      %min3A_84 = arith.minimumf %min3A, %min3A_82 : vector<16xf32>
      %min3A_85 = arith.minimumf %min3A_81, %min3A_83 : vector<16xf32>
      %min3A_86 = arith.minimumf %min3A_84, %min3A_85 : vector<16xf32>
      %reduce_min3A = arith.constant true
      %reduce_min3A_87 = vector.broadcast %reduce_min3A : i1 to vector<16xi1>
      %reduce_min3A_88 = tpu.scan <min>, %min3A_86 masked %reduce_min3A_87 : vector<16xf32>, vector<16xi1> -> vector<16xf32>
      %reduce_min3A_89 = vector.extract %reduce_min3A_88[15] : f32 from vector<16xf32>
      %max3A = arith.maximumf %scan3A_79#0, %scan3A_79#4 : vector<16xf32>
      %max3A_90 = arith.maximumf %scan3A_79#1, %scan3A_79#5 : vector<16xf32>
      %max3A_91 = arith.maximumf %scan3A_79#2, %scan3A_79#6 : vector<16xf32>
      %max3A_92 = arith.maximumf %scan3A_79#3, %scan3A_79#7 : vector<16xf32>
      %max3A_93 = arith.maximumf %max3A, %max3A_91 : vector<16xf32>
      %max3A_94 = arith.maximumf %max3A_90, %max3A_92 : vector<16xf32>
      %max3A_95 = arith.maximumf %max3A_93, %max3A_94 : vector<16xf32>
      %bitcast3A = vector.bitcast %max3A_95 : vector<16xf32> to vector<16xi32>
      %lt3A_96 = arith.constant 0 : i32
      %lt3A_97 = vector.broadcast %lt3A_96 : i32 to vector<16xi32>
      %lt3A_98 = arith.cmpi slt, %bitcast3A, %lt3A_97 : vector<16xi32>
      %xor3A = arith.constant 2147483647 : i32
      %xor3A_99 = vector.broadcast %xor3A : i32 to vector<16xi32>
      %xor3A_100 = arith.xori %bitcast3A, %xor3A_99 : vector<16xi32>
      %select_n3A_101 = arith.select %lt3A_98, %xor3A_100, %bitcast3A : vector<16xi1>, vector<16xi32>
      %reduce_max3A = arith.constant true
      %reduce_max3A_102 = vector.broadcast %reduce_max3A : i1 to vector<16xi1>
      %reduce_max3A_103 = arith.constant -2147483648 : i32
      %reduce_max3A_104 = vector.broadcast %reduce_max3A_103 : i32 to vector<16xi32>
      %reduce_max3A_105 = arith.xori %select_n3A_101, %reduce_max3A_104 : vector<16xi32>
      %reduce_max3A_106 = tpu.scan <max>, %reduce_max3A_105 masked %reduce_max3A_102 : vector<16xi32>, vector<16xi1> -> vector<16xi32>
      %reduce_max3A_107 = arith.xori %reduce_max3A_106, %reduce_max3A_104 : vector<16xi32>
      %reduce_max3A_108 = vector.extract %reduce_max3A_107[15] : i32 from vector<16xi32>
      %bitcast3A_109 = vector.bitcast %min3A_86 : vector<16xf32> to vector<16xi32>
      %lt3A_110 = arith.constant 0 : i32
      %lt3A_111 = vector.broadcast %lt3A_110 : i32 to vector<16xi32>
      %lt3A_112 = arith.cmpi slt, %bitcast3A_109, %lt3A_111 : vector<16xi32>
      %xor3A_113 = arith.constant 2147483647 : i32
      %xor3A_114 = vector.broadcast %xor3A_113 : i32 to vector<16xi32>
      %xor3A_115 = arith.xori %bitcast3A_109, %xor3A_114 : vector<16xi32>
      %select_n3A_116 = arith.select %lt3A_112, %xor3A_115, %bitcast3A_109 : vector<16xi1>, vector<16xi32>
      %reduce_min3A_117 = arith.constant true
      %reduce_min3A_118 = vector.broadcast %reduce_min3A_117 : i1 to vector<16xi1>
      %reduce_min3A_119 = arith.constant -2147483648 : i32
      %reduce_min3A_120 = vector.broadcast %reduce_min3A_119 : i32 to vector<16xi32>
      %reduce_min3A_121 = arith.xori %select_n3A_116, %reduce_min3A_120 : vector<16xi32>
      %reduce_min3A_122 = tpu.scan <min>, %reduce_min3A_121 masked %reduce_min3A_118 : vector<16xi32>, vector<16xi1> -> vector<16xi32>
      %reduce_min3A_123 = arith.xori %reduce_min3A_122, %reduce_min3A_120 : vector<16xi32>
      %reduce_min3A_124 = vector.extract %reduce_min3A_123[15] : i32 from vector<16xi32>
      %parallel_loop3A = arith.constant 0 : i32
      %parallel_loop3A_125 = arith.constant 3136 : i32
      %parallel_loop3A_126 = arith.constant 1 : i32
      %parallel_loop3A_127 = scf.for %parallel_loop3A_183 = %parallel_loop3A to %parallel_loop3A_125 step %parallel_loop3A_126 iter_args(%parallel_loop3A_184 = %broadcast_in_dim3A_1) -> (vector<16xi32>)  : i32 {
        %parallel_loop3A_185 = arith.constant 16 : i32
        %parallel_loop3A_186 = arith.muli %parallel_loop3A_183, %parallel_loop3A_185 : i32
        %parallel_loop3A_187 = tpu.memref_slice %arg5[%mul3A_74] : memref<100352xf32, #tpu.memory_space<vmem>> -> memref<50176xf32, #tpu.memory_space<vmem>>
        %parallel_loop3A_188 = arith.index_cast %parallel_loop3A_186 : i32 to index
        %parallel_loop3A_189 = tpu.vector_load %parallel_loop3A_187[%parallel_loop3A_188] {strides = array<i32>} : memref<50176xf32, #tpu.memory_space<vmem>>, vector<16xf32>,
        %parallel_loop3A_190 = vector.broadcast %reduce_min3A_89 : f32 to vector<16xf32>
        %parallel_loop3A_191 = arith.cmpf oge, %parallel_loop3A_189, %parallel_loop3A_190 : vector<16xf32>
        %parallel_loop3A_192 = arith.extui %parallel_loop3A_191 : vector<16xi1> to vector<16xi32>
        %parallel_loop3A_193 = arith.constant true
        %parallel_loop3A_194 = vector.broadcast %parallel_loop3A_193 : i1 to vector<16xi1>
        %parallel_loop3A_195 = tpu.scan <sum>, %parallel_loop3A_192 masked %parallel_loop3A_194 : vector<16xi32>, vector<16xi1> -> vector<16xi32>
        %parallel_loop3A_196 = arith.addi %parallel_loop3A_184, %parallel_loop3A_195 : vector<16xi32>
        %parallel_loop3A_197 = arith.constant 1 : i32
        %parallel_loop3A_198 = vector.broadcast %parallel_loop3A_197 : i32 to vector<16xi32>
        %parallel_loop3A_199 = arith.subi %parallel_loop3A_196, %parallel_loop3A_198 : vector<16xi32>
        %parallel_loop3A_200 = arith.constant 4096 : i32
        %parallel_loop3A_201 = vector.broadcast %parallel_loop3A_200 : i32 to vector<16xi32>
        %parallel_loop3A_202 = arith.cmpi slt, %parallel_loop3A_199, %parallel_loop3A_201 : vector<16xi32>
        %parallel_loop3A_203 = arith.andi %parallel_loop3A_191, %parallel_loop3A_202 : vector<16xi1>
        %parallel_loop3A_204 = arith.constant 16 : i32
        %parallel_loop3A_205 = arith.muli %parallel_loop3A_183, %parallel_loop3A_204 : i32
        %parallel_loop3A_206 = vector.broadcast %parallel_loop3A_205 : i32 to vector<16xi32>
        %parallel_loop3A_207 = arith.addi %iota3A, %parallel_loop3A_206 : vector<16xi32>
        tpu.vector_store_idx %arg6[%parallel_loop3A_199], %parallel_loop3A_207 masked %parallel_loop3A_203 : memref<4096xi32, #tpu.memory_space<vmem>>[vector<16xi32>], vector<16xi32>, vector<16xi1>
        %parallel_loop3A_208 = tpu.all_reduce %parallel_loop3A_191 {dim = 0 : i64, kind = #tpu.reduction_kind<sum>} : vector<16xi1> -> vector<16xi32>
        %parallel_loop3A_209 = arith.addi %parallel_loop3A_184, %parallel_loop3A_208 : vector<16xi32>
        scf.yield %parallel_loop3A_209 : vector<16xi32>
      } {sc.loop_unroll_factor = 12 : i64, sc.parallel_access}
      %reduce_max3A_128 = arith.constant true
      %reduce_max3A_129 = vector.broadcast %reduce_max3A_128 : i1 to vector<16xi1>
      %reduce_max3A_130 = arith.constant -2147483648 : i32
      %reduce_max3A_131 = vector.broadcast %reduce_max3A_130 : i32 to vector<16xi32>
      %reduce_max3A_132 = arith.xori %parallel_loop3A_127, %reduce_max3A_131 : vector<16xi32>
      %reduce_max3A_133 = tpu.scan <max>, %reduce_max3A_132 masked %reduce_max3A_129 : vector<16xi32>, vector<16xi1> -> vector<16xi32>
      %reduce_max3A_134 = arith.xori %reduce_max3A_133, %reduce_max3A_131 : vector<16xi32>
      %reduce_max3A_135 = vector.extract %reduce_max3A_134[15] : i32 from vector<16xi32>
      %min3A_136 = arith.constant 4096 : i32
      %min3A_137 = arith.minsi %reduce_max3A_135, %min3A_136 : i32
      %add3A_138 = arith.constant 15 : i32
      %add3A_139 = arith.addi %min3A_137, %add3A_138 : i32
      %jit3A_140 = arith.constant 16 : i32
      %div3A = arith.divsi %add3A_139, %jit3A_140 : i32
      %sign3A = arith.constant 0 : i32
      %sign3A_141 = arith.cmpi sgt, %add3A_139, %sign3A : i32
      %sign3A_142 = arith.extui %sign3A_141 : i1 to i32
      %sign3A_143 = arith.constant 0 : i32
      %sign3A_144 = arith.cmpi slt, %add3A_139, %sign3A_143 : i32
      %sign3A_145 = arith.extui %sign3A_144 : i1 to i32
      %sign3A_146 = arith.subi %sign3A_142, %sign3A_145 : i32
      %sign3A_147 = arith.constant 0 : i32
      %sign3A_148 = arith.cmpi sgt, %jit3A_140, %sign3A_147 : i32
      %sign3A_149 = arith.extui %sign3A_148 : i1 to i32
      %sign3A_150 = arith.constant 0 : i32
      %sign3A_151 = arith.cmpi slt, %jit3A_140, %sign3A_150 : i32
      %sign3A_152 = arith.extui %sign3A_151 : i1 to i32
      %sign3A_153 = arith.subi %sign3A_149, %sign3A_152 : i32
      %ne3A_154 = arith.cmpi ne, %sign3A_146, %sign3A_153 : i32
      %rem3A_155 = arith.remsi %add3A_139, %jit3A_140 : i32
      %ne3A_156 = arith.constant 0 : i32
      %ne3A_157 = arith.cmpi ne, %rem3A_155, %ne3A_156 : i32
      %and3A_158 = arith.andi %ne3A_154, %ne3A_157 : i1
      %sub3A = arith.constant 1 : i32
      %sub3A_159 = arith.subi %div3A, %sub3A : i32
      %select_n3A_160 = arith.select %and3A_158, %sub3A_159, %div3A : i32
      %parallel_loop3A_161 = arith.constant 0 : i32
      %parallel_loop3A_162 = arith.constant 1 : i32
      scf.for %parallel_loop3A_183 = %parallel_loop3A_161 to %select_n3A_160 step %parallel_loop3A_162  : i32 {
        %parallel_loop3A_184 = arith.constant 16 : i32
        %parallel_loop3A_185 = arith.muli %parallel_loop3A_183, %parallel_loop3A_184 : i32
        %parallel_loop3A_186 = vector.broadcast %parallel_loop3A_185 : i32 to vector<16xi32>
        %parallel_loop3A_187 = arith.addi %iota3A, %parallel_loop3A_186 : vector<16xi32>
        %parallel_loop3A_188 = vector.broadcast %min3A_137 : i32 to vector<16xi32>
        %parallel_loop3A_189 = arith.cmpi slt, %parallel_loop3A_187, %parallel_loop3A_188 : vector<16xi32>
        %parallel_loop3A_190 = arith.constant 16 : i32
        %parallel_loop3A_191 = arith.muli %parallel_loop3A_183, %parallel_loop3A_190 : i32
        %parallel_loop3A_192 = arith.index_cast %parallel_loop3A_191 : i32 to index
        %parallel_loop3A_193 = tpu.vector_load %arg6[%parallel_loop3A_192] {strides = array<i32>} : memref<4096xi32, #tpu.memory_space<vmem>>, vector<16xi32>,
        %parallel_loop3A_194 = arith.constant 0 : i32
        %parallel_loop3A_195 = vector.broadcast %parallel_loop3A_194 : i32 to vector<16xi32>
        %parallel_loop3A_196 = arith.select %parallel_loop3A_189, %parallel_loop3A_193, %parallel_loop3A_195 : vector<16xi1>, vector<16xi32>
        %parallel_loop3A_197 = tpu.memref_slice %arg5[%mul3A_74] : memref<100352xf32, #tpu.memory_space<vmem>> -> memref<50176xf32, #tpu.memory_space<vmem>>
        %parallel_loop3A_198 = tpu.vector_load_idx %parallel_loop3A_197[%parallel_loop3A_196] : memref<50176xf32, #tpu.memory_space<vmem>>[vector<16xi32>], vector<16xf32>,
        %parallel_loop3A_199 = vector.bitcast %parallel_loop3A_198 : vector<16xf32> to vector<16xi32>
        %parallel_loop3A_200 = arith.constant 0 : i32
        %parallel_loop3A_201 = vector.broadcast %parallel_loop3A_200 : i32 to vector<16xi32>
        %parallel_loop3A_202 = arith.cmpi slt, %parallel_loop3A_199, %parallel_loop3A_201 : vector<16xi32>
        %parallel_loop3A_203 = arith.constant 2147483647 : i32
        %parallel_loop3A_204 = vector.broadcast %parallel_loop3A_203 : i32 to vector<16xi32>
        %parallel_loop3A_205 = arith.xori %parallel_loop3A_199, %parallel_loop3A_204 : vector<16xi32>
        %parallel_loop3A_206 = arith.select %parallel_loop3A_202, %parallel_loop3A_205, %parallel_loop3A_199 : vector<16xi1>, vector<16xi32>
        %parallel_loop3A_207 = arith.constant -2147483648 : i32
        %parallel_loop3A_208 = vector.broadcast %parallel_loop3A_207 : i32 to vector<16xi32>
        %parallel_loop3A_209 = arith.select %parallel_loop3A_189, %parallel_loop3A_206, %parallel_loop3A_208 : vector<16xi1>, vector<16xi32>
        %parallel_loop3A_210 = arith.constant 16 : i32
        %parallel_loop3A_211 = arith.muli %parallel_loop3A_183, %parallel_loop3A_210 : i32
        %parallel_loop3A_212 = arith.index_cast %parallel_loop3A_211 : i32 to index
        %parallel_loop3A_213 = tpu.vector_load %arg7[%parallel_loop3A_212] {strides = array<i32>} : memref<4096xi32, #tpu.memory_space<vmem>>, vector<16xi32>,
        tpu.vector_store %arg7[%parallel_loop3A_212], %parallel_loop3A_209 {strides = array<i32>} : memref<4096xi32, #tpu.memory_space<vmem>>, vector<16xi32>,
      } {sc.loop_unroll_factor = 1 : i64, sc.parallel_access}
      %sub3A_163 = arith.constant 1 : i32
      %sub3A_164 = arith.subi %reduce_min3A_124, %sub3A_163 : i32
      %while3A:2 = scf.while (%while3A_183 = %sub3A_164, %while3A_184 = %reduce_max3A_108) : (i32, i32) -> (i32, i32) {
        %sub3A_185 = arith.subi %while3A_184, %while3A_183 : i32
        %gt3A = arith.constant 1 : i32
        %gt3A_186 = arith.cmpi sgt, %sub3A_185, %gt3A : i32
        scf.condition(%gt3A_186) %while3A_183, %while3A_184 : i32, i32
      } do {
      ^bb0(%while3A_183: i32, %while3A_184: i32):
        %sub3A_185 = arith.subi %while3A_184, %while3A_183 : i32
        %shift_right_arithmetic3A = arith.constant 1 : i32
        %shift_right_arithmetic3A_186 = arith.shrsi %sub3A_185, %shift_right_arithmetic3A : i32
        %add3A_187 = arith.addi %while3A_183, %shift_right_arithmetic3A_186 : i32
        %parallel_loop3A_188 = arith.constant 0 : i32
        %parallel_loop3A_189 = arith.constant 1 : i32
        %parallel_loop3A_190 = scf.for %parallel_loop3A_202 = %parallel_loop3A_188 to %select_n3A_160 step %parallel_loop3A_189 iter_args(%parallel_loop3A_203 = %broadcast_in_dim3A_1) -> (vector<16xi32>)  : i32 {
          %parallel_loop3A_204 = arith.constant 16 : i32
          %parallel_loop3A_205 = arith.muli %parallel_loop3A_202, %parallel_loop3A_204 : i32
          %parallel_loop3A_206 = arith.index_cast %parallel_loop3A_205 : i32 to index
          %parallel_loop3A_207 = tpu.vector_load %arg7[%parallel_loop3A_206] {strides = array<i32>} : memref<4096xi32, #tpu.memory_space<vmem>>, vector<16xi32>,
          %parallel_loop3A_208 = vector.broadcast %add3A_187 : i32 to vector<16xi32>
          %parallel_loop3A_209 = arith.cmpi sgt, %parallel_loop3A_207, %parallel_loop3A_208 : vector<16xi32>
          %parallel_loop3A_210 = tpu.all_reduce %parallel_loop3A_209 {dim = 0 : i64, kind = #tpu.reduction_kind<sum>} : vector<16xi1> -> vector<16xi32>
          %parallel_loop3A_211 = arith.addi %parallel_loop3A_203, %parallel_loop3A_210 : vector<16xi32>
          scf.yield %parallel_loop3A_211 : vector<16xi32>
        } {sc.loop_unroll_factor = 1 : i64, sc.parallel_access}
        %reduce_max3A_191 = arith.constant true
        %reduce_max3A_192 = vector.broadcast %reduce_max3A_191 : i1 to vector<16xi1>
        %reduce_max3A_193 = arith.constant -2147483648 : i32
        %reduce_max3A_194 = vector.broadcast %reduce_max3A_193 : i32 to vector<16xi32>
        %reduce_max3A_195 = arith.xori %parallel_loop3A_190, %reduce_max3A_194 : vector<16xi32>
        %reduce_max3A_196 = tpu.scan <max>, %reduce_max3A_195 masked %reduce_max3A_192 : vector<16xi32>, vector<16xi1> -> vector<16xi32>
        %reduce_max3A_197 = arith.xori %reduce_max3A_196, %reduce_max3A_194 : vector<16xi32>
        %reduce_max3A_198 = vector.extract %reduce_max3A_197[15] : i32 from vector<16xi32>
        %ge3A = arith.constant 128 : i32
        %ge3A_199 = arith.cmpi sge, %reduce_max3A_198, %ge3A : i32
        %select_n3A_200 = arith.select %ge3A_199, %add3A_187, %while3A_183 : i32
        %select_n3A_201 = arith.select %ge3A_199, %while3A_184, %add3A_187 : i32
        scf.yield %select_n3A_200, %select_n3A_201 : i32, i32
      }
      %parallel_loop3A_165 = arith.constant 0 : i32
      %parallel_loop3A_166 = arith.constant 1 : i32
      %parallel_loop3A_167 = scf.for %parallel_loop3A_183 = %parallel_loop3A_165 to %select_n3A_160 step %parallel_loop3A_166 iter_args(%parallel_loop3A_184 = %broadcast_in_dim3A_1) -> (vector<16xi32>)  : i32 {
        %parallel_loop3A_185 = arith.constant 16 : i32
        %parallel_loop3A_186 = arith.muli %parallel_loop3A_183, %parallel_loop3A_185 : i32
        %parallel_loop3A_187 = arith.index_cast %parallel_loop3A_186 : i32 to index
        %parallel_loop3A_188 = tpu.vector_load %arg7[%parallel_loop3A_187] {strides = array<i32>} : memref<4096xi32, #tpu.memory_space<vmem>>, vector<16xi32>,
        %parallel_loop3A_189 = vector.broadcast %while3A#1 : i32 to vector<16xi32>
        %parallel_loop3A_190 = arith.cmpi sgt, %parallel_loop3A_188, %parallel_loop3A_189 : vector<16xi32>
        %parallel_loop3A_191 = tpu.all_reduce %parallel_loop3A_190 {dim = 0 : i64, kind = #tpu.reduction_kind<sum>} : vector<16xi1> -> vector<16xi32>
        %parallel_loop3A_192 = arith.addi %parallel_loop3A_184, %parallel_loop3A_191 : vector<16xi32>
        scf.yield %parallel_loop3A_192 : vector<16xi32>
      } {sc.loop_unroll_factor = 1 : i64, sc.parallel_access}
      %reduce_max3A_168 = arith.constant true
      %reduce_max3A_169 = vector.broadcast %reduce_max3A_168 : i1 to vector<16xi1>
      %reduce_max3A_170 = arith.constant -2147483648 : i32
      %reduce_max3A_171 = vector.broadcast %reduce_max3A_170 : i32 to vector<16xi32>
      %reduce_max3A_172 = arith.xori %parallel_loop3A_167, %reduce_max3A_171 : vector<16xi32>
      %reduce_max3A_173 = tpu.scan <max>, %reduce_max3A_172 masked %reduce_max3A_169 : vector<16xi32>, vector<16xi1> -> vector<16xi32>
      %reduce_max3A_174 = arith.xori %reduce_max3A_173, %reduce_max3A_171 : vector<16xi32>
      %reduce_max3A_175 = vector.extract %reduce_max3A_174[15] : i32 from vector<16xi32>
      %sub3A_176 = arith.constant 128 : i32
      %sub3A_177 = arith.subi %sub3A_176, %reduce_max3A_175 : i32
      %add3A_178 = vector.broadcast %add3A_30 : i32 to vector<16xi32>
      %add3A_179 = arith.addi %broadcast_in_dim3A_1, %add3A_178 : vector<16xi32>
      %parallel_loop3A_180 = arith.constant 0 : i32
      %parallel_loop3A_181 = arith.constant 1 : i32
      %parallel_loop3A_182:2 = scf.for %parallel_loop3A_183 = %parallel_loop3A_180 to %select_n3A_160 step %parallel_loop3A_181 iter_args(%parallel_loop3A_184 = %broadcast_in_dim3A_1, %parallel_loop3A_185 = %broadcast_in_dim3A_1) -> (vector<16xi32>, vector<16xi32>)  : i32 {
        %parallel_loop3A_186 = arith.constant 16 : i32
        %parallel_loop3A_187 = arith.muli %parallel_loop3A_183, %parallel_loop3A_186 : i32
        %parallel_loop3A_188 = arith.index_cast %parallel_loop3A_187 : i32 to index
        %parallel_loop3A_189 = tpu.vector_load %arg7[%parallel_loop3A_188] {strides = array<i32>} : memref<4096xi32, #tpu.memory_space<vmem>>, vector<16xi32>,
        %parallel_loop3A_190 = vector.broadcast %while3A#1 : i32 to vector<16xi32>
        %parallel_loop3A_191 = arith.cmpi sgt, %parallel_loop3A_189, %parallel_loop3A_190 : vector<16xi32>
        %parallel_loop3A_192 = vector.broadcast %while3A#1 : i32 to vector<16xi32>
        %parallel_loop3A_193 = arith.cmpi eq, %parallel_loop3A_189, %parallel_loop3A_192 : vector<16xi32>
        %parallel_loop3A_194 = arith.extui %parallel_loop3A_193 : vector<16xi1> to vector<16xi32>
        %parallel_loop3A_195 = arith.constant true
        %parallel_loop3A_196 = vector.broadcast %parallel_loop3A_195 : i1 to vector<16xi1>
        %parallel_loop3A_197 = tpu.scan <sum>, %parallel_loop3A_194 masked %parallel_loop3A_196 : vector<16xi32>, vector<16xi1> -> vector<16xi32>
        %parallel_loop3A_198 = arith.addi %parallel_loop3A_185, %parallel_loop3A_197 : vector<16xi32>
        %parallel_loop3A_199 = vector.broadcast %sub3A_177 : i32 to vector<16xi32>
        %parallel_loop3A_200 = arith.cmpi sle, %parallel_loop3A_198, %parallel_loop3A_199 : vector<16xi32>
        %parallel_loop3A_201 = arith.andi %parallel_loop3A_193, %parallel_loop3A_200 : vector<16xi1>
        %parallel_loop3A_202 = arith.ori %parallel_loop3A_191, %parallel_loop3A_201 : vector<16xi1>
        %parallel_loop3A_203 = arith.extui %parallel_loop3A_202 : vector<16xi1> to vector<16xi32>
        %parallel_loop3A_204 = arith.constant true
        %parallel_loop3A_205 = vector.broadcast %parallel_loop3A_204 : i1 to vector<16xi1>
        %parallel_loop3A_206 = tpu.scan <sum>, %parallel_loop3A_203 masked %parallel_loop3A_205 : vector<16xi32>, vector<16xi1> -> vector<16xi32>
        %parallel_loop3A_207 = arith.addi %parallel_loop3A_184, %parallel_loop3A_206 : vector<16xi32>
        %parallel_loop3A_208 = arith.constant 1 : i32
        %parallel_loop3A_209 = vector.broadcast %parallel_loop3A_208 : i32 to vector<16xi32>
        %parallel_loop3A_210 = arith.subi %parallel_loop3A_207, %parallel_loop3A_209 : vector<16xi32>
        %parallel_loop3A_211 = arith.constant 0 : i32
        %parallel_loop3A_212 = vector.broadcast %parallel_loop3A_211 : i32 to vector<16xi32>
        %parallel_loop3A_213 = arith.cmpi slt, %parallel_loop3A_189, %parallel_loop3A_212 : vector<16xi32>
        %parallel_loop3A_214 = arith.constant 2147483647 : i32
        %parallel_loop3A_215 = vector.broadcast %parallel_loop3A_214 : i32 to vector<16xi32>
        %parallel_loop3A_216 = arith.xori %parallel_loop3A_189, %parallel_loop3A_215 : vector<16xi32>
        %parallel_loop3A_217 = arith.select %parallel_loop3A_213, %parallel_loop3A_216, %parallel_loop3A_189 : vector<16xi1>, vector<16xi32>
        %parallel_loop3A_218 = vector.bitcast %parallel_loop3A_217 : vector<16xi32> to vector<16xf32>
        %parallel_loop3A_219 = arith.constant 16 : i32
        %parallel_loop3A_220 = arith.muli %parallel_loop3A_183, %parallel_loop3A_219 : i32
        %parallel_loop3A_221 = arith.index_cast %parallel_loop3A_220 : i32 to index
        %parallel_loop3A_222 = tpu.vector_load %arg6[%parallel_loop3A_221] {strides = array<i32>} : memref<4096xi32, #tpu.memory_space<vmem>>, vector<16xi32>,
        tpu.vector_store_idx %arg9[%add3A_179, %parallel_loop3A_210], %parallel_loop3A_222 masked %parallel_loop3A_202 : memref<64x128xi32, #tpu.memory_space<vmem>>[vector<16xi32>, vector<16xi32>], vector<16xi32>, vector<16xi1>
        tpu.vector_store_idx %arg8[%add3A_179, %parallel_loop3A_210], %parallel_loop3A_218 masked %parallel_loop3A_202 : memref<64x128xf32, #tpu.memory_space<vmem>>[vector<16xi32>, vector<16xi32>], vector<16xf32>, vector<16xi1>
        %parallel_loop3A_223 = tpu.all_reduce %parallel_loop3A_202 {dim = 0 : i64, kind = #tpu.reduction_kind<sum>} : vector<16xi1> -> vector<16xi32>
        %parallel_loop3A_224 = arith.addi %parallel_loop3A_184, %parallel_loop3A_223 : vector<16xi32>
        %parallel_loop3A_225 = tpu.all_reduce %parallel_loop3A_193 {dim = 0 : i64, kind = #tpu.reduction_kind<sum>} : vector<16xi1> -> vector<16xi32>
        %parallel_loop3A_226 = arith.addi %parallel_loop3A_185, %parallel_loop3A_225 : vector<16xi32>
        scf.yield %parallel_loop3A_224, %parallel_loop3A_226 : vector<16xi32>, vector<16xi32>
      } {sc.loop_unroll_factor = 1 : i64, sc.parallel_access}
    }
    %scan3A_18 = arith.constant 64 : i32
    %scan3A_19 = arith.constant 0 : i32
    %scan3A_20 = arith.constant 64 : i32
    %scan3A_21 = arith.addi %scan3A_19, %scan3A_20 : i32
    %scan3A_22 = arith.constant 1 : i32
    scf.for %scan3A_26 = %scan3A_19 to %scan3A_21 step %scan3A_22  : i32 {
      %mul3A_27 = arith.constant 1 : i32
      %mul3A_28 = arith.muli %scan3A_26, %mul3A_27 : i32
      %add3A_29 = arith.constant 0 : i32
      %add3A_30 = arith.addi %add3A_29, %mul3A_28 : i32
      "tpu.region"() ({
        %run_scoped3A = tpu.sem_alloc : memref<!tpu.dma_semaphore, #tpu.memory_space<semaphore_mem>>
        %dma_start3A_36 = arith.constant 0 : i32
        %dma_start3A_37 = tpu.memref_slice %arg9[%add3A_30, %dma_start3A_36] : memref<64x128xi32, #tpu.memory_space<vmem>> -> memref<1x128xi32, #tpu.memory_space<vmem>>
        %dma_start3A_38 = tpu.memref_squeeze %dma_start3A_37 : memref<1x128xi32, #tpu.memory_space<vmem>> -> memref<128xi32, #tpu.memory_space<vmem>>
        %dma_start3A_39 = arith.constant 0 : i32
        %dma_start3A_40 = tpu.memref_slice %arg3[%dma_start3A_39] : memref<50176xf32, #tpu.memory_space<hbm>> -> memref<50176xf32, #tpu.memory_space<hbm>>
        tpu.enqueue_indirect_dma source(%dma_start3A_40 : memref<50176xf32, #tpu.memory_space<hbm>>) target(%arg10 : memref<128xf32, #tpu.memory_space<vmem>>) offsets(%dma_start3A_38 : memref<128xi32, #tpu.memory_space<vmem>>) semaphore(%run_scoped3A : memref<!tpu.dma_semaphore, #tpu.memory_space<semaphore_mem>>)
        %dma_wait3A = arith.constant 0 : i32
        %dma_wait3A_41 = tpu.memref_slice %arg9[%add3A_30, %dma_wait3A] : memref<64x128xi32, #tpu.memory_space<vmem>> -> memref<1x128xi32, #tpu.memory_space<vmem>>
        %dma_wait3A_42 = tpu.memref_squeeze %dma_wait3A_41 : memref<1x128xi32, #tpu.memory_space<vmem>> -> memref<128xi32, #tpu.memory_space<vmem>>
        %dma_wait3A_43 = arith.constant 0 : i32
        %dma_wait3A_44 = tpu.memref_slice %arg3[%dma_wait3A_43] : memref<50176xf32, #tpu.memory_space<hbm>> -> memref<50176xf32, #tpu.memory_space<hbm>>
        tpu.wait_indirect_dma semaphore(%run_scoped3A : memref<!tpu.dma_semaphore, #tpu.memory_space<semaphore_mem>>) src(%dma_wait3A_44 : memref<50176xf32, #tpu.memory_space<hbm>>) dst(%arg10 : memref<128xf32, #tpu.memory_space<vmem>>)
        tpu.yield
      }) : () -> ()
      %scan3A_31 = arith.constant 0 : i32
      %scan3A_32 = arith.constant 8 : i32
      %scan3A_33 = arith.addi %scan3A_31, %scan3A_32 : i32
      %scan3A_34 = arith.constant 1 : i32
      scf.for %scan3A_36 = %scan3A_31 to %scan3A_33 step %scan3A_34  : i32 {
        %mul3A_37 = arith.constant 1 : i32
        %mul3A_38 = arith.muli %scan3A_36, %mul3A_37 : i32
        %add3A_39 = arith.constant 0 : i32
        %add3A_40 = arith.addi %add3A_39, %mul3A_38 : i32
        %mul3A_41 = arith.constant 16 : i32
        %mul3A_42 = arith.muli %add3A_40, %mul3A_41 : i32
        %get3A = arith.constant 0 : i32
        %get3A_43 = tpu.memref_slice %arg8[%add3A_30, %get3A] : memref<64x128xf32, #tpu.memory_space<vmem>> -> memref<1x128xf32, #tpu.memory_space<vmem>>
        %get3A_44 = tpu.memref_squeeze %get3A_43 : memref<1x128xf32, #tpu.memory_space<vmem>> -> memref<128xf32, #tpu.memory_space<vmem>>
        %get3A_45 = arith.index_cast %mul3A_42 : i32 to index
        %get3A_46 = tpu.vector_load %get3A_44[%get3A_45] {strides = array<i32>} : memref<128xf32, #tpu.memory_space<vmem>>, vector<16xf32>,
        %get3A_47 = arith.index_cast %mul3A_42 : i32 to index
        %get3A_48 = tpu.vector_load %arg10[%get3A_47] {strides = array<i32>} : memref<128xf32, #tpu.memory_space<vmem>>, vector<16xf32>,
        %add3A_49 = arith.addf %get3A_46, %get3A_48 : vector<16xf32>
        %swap3A = arith.constant 0 : i32
        %swap3A_50 = tpu.memref_slice %arg8[%add3A_30, %swap3A] : memref<64x128xf32, #tpu.memory_space<vmem>> -> memref<1x128xf32, #tpu.memory_space<vmem>>
        %swap3A_51 = tpu.memref_squeeze %swap3A_50 : memref<1x128xf32, #tpu.memory_space<vmem>> -> memref<128xf32, #tpu.memory_space<vmem>>
        %swap3A_52 = arith.index_cast %mul3A_42 : i32 to index
        %swap3A_53 = tpu.vector_load %swap3A_51[%swap3A_52] {strides = array<i32>} : memref<128xf32, #tpu.memory_space<vmem>>, vector<16xf32>,
        tpu.vector_store %swap3A_51[%swap3A_52], %add3A_49 {strides = array<i32>} : memref<128xf32, #tpu.memory_space<vmem>>, vector<16xf32>,
      }
      %scan3A_35 = arith.constant 8 : i32
    }
    %scan3A_23 = arith.constant 64 : i32
    %mul3A_24 = arith.constant 64 : i32
    %mul3A_25 = arith.muli %add3A, %mul3A_24 : i32
    "tpu.region"() ({
      %run_scoped3A = tpu.sem_alloc : memref<!tpu.dma_semaphore, #tpu.memory_space<semaphore_mem>>
      %dma_start3A_26 = arith.constant 0 : i32
      %dma_start3A_27 = tpu.memref_slice %arg4[%mul3A_25, %dma_start3A_26] : memref<2048x128xf32, #tpu.memory_space<hbm>> -> memref<64x128xf32, #tpu.memory_space<hbm>>
      %dma_start3A_28 = arith.constant 0 : i32
      %dma_start3A_29 = tpu.memref_slice %arg4[%mul3A_25, %dma_start3A_28] : memref<2048x128xf32, #tpu.memory_space<hbm>> -> memref<64x128xf32, #tpu.memory_space<hbm>>
      tpu.enqueue_dma source(%arg8 : memref<64x128xf32, #tpu.memory_space<vmem>>) target(%dma_start3A_29 : memref<64x128xf32, #tpu.memory_space<hbm>>) target_semaphore(%run_scoped3A : memref<!tpu.dma_semaphore, #tpu.memory_space<semaphore_mem>>)
      %dma_wait3A = arith.constant 0 : i32
      %dma_wait3A_30 = tpu.memref_slice %arg4[%mul3A_25, %dma_wait3A] : memref<2048x128xf32, #tpu.memory_space<hbm>> -> memref<64x128xf32, #tpu.memory_space<hbm>>
      %dma_wait3A_31 = arith.constant 0 : i32
      %dma_wait3A_32 = tpu.memref_slice %arg4[%mul3A_25, %dma_wait3A_31] : memref<2048x128xf32, #tpu.memory_space<hbm>> -> memref<64x128xf32, #tpu.memory_space<hbm>>
      tpu.wait_dma2 semaphore(%run_scoped3A : memref<!tpu.dma_semaphore, #tpu.memory_space<semaphore_mem>>) src(%arg8 : memref<64x128xf32, #tpu.memory_space<vmem>>) dst(%dma_wait3A_32 : memref<64x128xf32, #tpu.memory_space<hbm>>)
      tpu.yield
    }) : () -> ()
    return
  }
}

</mosaic_0001>

<sc_bundles>
// kernel: _run.3.cloned.1.call-start
scs
__scs_entry_jumppad:
0x0: {  	(pc) =	sbr.rel $0x88, $3  }
0x1: {  	(tag) =	ssettag $0x0;
	lr =	simm.s32 $0x1  }
0x2: {  	[smem:$0x3F9F] =	sst lr;
	_ =	strace $0xD0000000  }
0x3: {  	_ = 	snop  }
0x4: {  	_ = 	snop  }
0x5: {  	_ = 	snop  }
0x6: {  	_ = 	snop  }
0x7: {  	_ = 	snop  }
__scs_overlays_trampoline_lowered:
0x8: {  	[smem:$0x3FAE] =	sst s0  }
0x9: {  	[smem:$0x3FAF] =	sst s1  }
0xa: {  	[smem:$0x3FB0] =	sst s2  }
0xb: {  	[smem:$0x3FB1] =	sst s3  }
0xc: {  	[smem:$0x3FB2] =	sst s4  }
0xd: {  	[smem:$0x3FB3] =	sst s5  }
0xe: {  	[smem:$0x3FB4] =	sst s6  }
0xf: {  	[smem:$0x3FB5] =	sst s7  }
0x10: {  	[smem:$0x3FB6] =	sst s8  }
0x11: {  	[smem:$0x3FB7] =	sst s9;
	s0 =	simm.s32 @!p0 $0x0  }
0x12: {  	s1 =	sld [smem:$0x3F9D];
	s0 =	simm.s32 @p0 $0x1  }
0x13: {  	[smem:$0x3FB8] =	sst s0;
	s0 =	simm.s32 @!p1 $0x0  }
0x14: {  	s2 =	sld [smem:$0x3F9C];
	s0 =	simm.s32 @p1 $0x1  }
0x15: {  	[smem:$0x3FB9] =	sst s0;
	s0 =	simm.s32 @!p2 $0x0  }
0x16: {  	s3 =	sld [smem:$0x3FDB];
	s0 =	simm.s32 @p2 $0x1  }
0x17: {  	s4 =	simm.s32 $0x1BF5;
	[smem:$0x3FBB] =	sst s0  }
0x18: {  	s0 =	sld [smem:$0x3F9E];
	_ =	swait.ge [sflag:s4], $0x0  }
0x19: {  	s7 =	sld [smem:$0x3F9F]  }
0x1a: {  	s8 =	sadd.s32 $0xFFFFE003, lr  }
0x1b: {  	s9 =	sadd.s32 $0xFFFFFEF7, lr;
	s5 =	simm.s32 $0xFFFFFFFF;
	p2 =	slt.u32 s8, $0xFFFFF086  }
0x1c: {  	p1 =	slt.u32 s9, $0xF7A;
	s5 =	simm.s32 @!p2 $0x0  }
0x1d: {  	s5 =	simm.s32 @p1 $0x1;
	p0 =	seq.s32 s7, s2  }
0x1e: {  	s7 =	smul.u32 @!p0 $0xF7A, s2;
	p2 =	seq.s32 @!p0 s5, $0x0  }
0x1f: {  	s9 =	smul.u32 $0xF7A, s1;
	s8 =	simm.s32 @!p0 $0x1BF5;
	p2 =	por !p2, p0  }
0x20: {  	[sflag:s8] =	ssyncset.s32 @!p0 $0xFFFFF086;
	s6 =	sadd.s32 @!p0 s3, s7;
	s7 =	simm.s32 @!p0 $0x108  }
0x21: {  	s3 =	sadd.s32 s3, s9;
	s6 =	sadd.s32 @!p0 $0x88, s6;
	s7 =	simm.s32 @p2 $0x1082  }
0x22: {  	[simem:s7], [sflag:s8] =	dma.local @!p0 [hbm:s6], $0xF7A  }
0x23: {  	s9 =	sor.u32 $0xD0000000, s2;
	s6 =	simm.s32 $0x108;
	_ =	swait.ge @!p0 [sflag:s8], $0x0  }
0x24: {  	s3 =	sadd.s32 $0x88, s3;
	s6 =	simm.s32 @!p1 $0x1082;
	[sflag:s4] =	ssyncset.s32 $0xFFFFF086  }
0x25: {  	[simem:s6], [sflag:s4] =	dma.local [hbm:s3], $0xF7A  }
0x26: {  	[smem:$0x3F9F] =	sst s1;
	(tag) =	ssettag s2;
	_ =	strace s9  }
0x27: {  	s1 =	sld [smem:$0x3FAF]  }
0x28: {  	s2 =	sld [smem:$0x3FB0]  }
0x29: {  	s4 =	sld [smem:$0x3FB2]  }
0x2a: {  	p0 =	seq.s32 s5, $0x0;
	s5 =	sld [smem:$0x3FB3]  }
0x2b: {  	s6 =	sld [smem:$0x3FB4]  }
0x2c: {  	s7 =	sld [smem:$0x3FB5]  }
0x2d: {  	s3 =	simm.s32 $0x108;
	s8 =	sld [smem:$0x3FB6]  }
0x2e: {  	s3 =	simm.s32 @!p0 $0x1082;
	s9 =	sld [smem:$0x3FB7]  }
0x2f: {  	lr =	sadd.s32 s0, s3;
	s0 =	sld [smem:$0x3FAE]  }
0x30: {  	s3 =	sld [smem:$0x3FB1]  }
0x31: {  	[smem:$0x3FBA] =	sst s10  }
0x32: {  	s10 =	sld [smem:$0x3FB8];
	_ =	sdelay $0x3  }
0x33: {  	p0 =	seq.s32 s10, $0x1;
	s10 =	sld [smem:$0x3FBA];
	_ =	sdelay $0x3  }
0x34: {  	[smem:$0x3FBA] =	sst s10  }
0x35: {  	s10 =	sld [smem:$0x3FB9];
	_ =	sdelay $0x3  }
0x36: {  	p1 =	seq.s32 s10, $0x1;
	s10 =	sld [smem:$0x3FBA];
	_ =	sdelay $0x3  }
0x37: {  	[smem:$0x3FBA] =	sst s10  }
0x38: {  	s10 =	sld [smem:$0x3FBB]  }
0x39: {  	_ = 	snop;
	(pc) =	sbr.ind lr, $3  }
0x3a: {  	_ = 	snop  }
0x3b: {  	_ = 	snop  }
0x3c: {  	p2 =	seq.s32 s10, $0x1;
	s10 =	sld [smem:$0x3FBA]  }
0x3d: {  	_ =	shalt  }
0x3e: {  	_ =	shalt  }
0x3f: {  	_ =	shalt  }
0x40: {  	_ =	shalt  }
0x41: {  	_ =	shalt  }
0x42: {  	_ =	shalt  }
0x43: {  	_ =	shalt  }
0x44: {  	_ =	shalt  }
0x45: {  	_ =	shalt  }
0x46: {  	_ =	shalt  }
0x47: {  	_ =	shalt  }
0x48: {  	_ =	shalt  }
0x49: {  	_ =	shalt  }
0x4a: {  	_ =	shalt  }
0x4b: {  	_ =	shalt  }
0x4c: {  	_ =	shalt  }
0x4d: {  	_ =	shalt  }
0x4e: {  	_ =	shalt  }
0x4f: {  	_ =	shalt  }
0x50: {  	_ =	shalt  }
0x51: {  	_ =	shalt  }
0x52: {  	_ =	shalt  }
0x53: {  	_ =	shalt  }
0x54: {  	_ =	shalt  }
0x55: {  	_ =	shalt  }
0x56: {  	_ =	shalt  }
0x57: {  	_ =	shalt  }
0x58: {  	_ =	shalt  }
0x59: {  	_ =	shalt  }
0x5a: {  	_ =	shalt  }
0x5b: {  	_ =	shalt  }
0x5c: {  	_ =	shalt  }
0x5d: {  	_ =	shalt  }
0x5e: {  	_ =	shalt  }
0x5f: {  	_ =	shalt  }
0x60: {  	_ =	shalt  }
0x61: {  	_ =	shalt  }
0x62: {  	_ =	shalt  }
0x63: {  	_ =	shalt  }
0x64: {  	_ =	shalt  }
0x65: {  	_ =	shalt  }
0x66: {  	_ =	shalt  }
0x67: {  	_ =	shalt  }
0x68: {  	_ =	shalt  }
0x69: {  	_ =	shalt  }
0x6a: {  	_ =	shalt  }
0x6b: {  	_ =	shalt  }
0x6c: {  	_ =	shalt  }
0x6d: {  	_ =	shalt  }
0x6e: {  	_ =	shalt  }
0x6f: {  	_ =	shalt  }
0x70: {  	_ =	shalt  }
0x71: {  	_ =	shalt  }
0x72: {  	_ =	shalt  }
0x73: {  	_ =	shalt  }
0x74: {  	_ =	shalt  }
0x75: {  	_ =	shalt  }
0x76: {  	_ =	shalt  }
0x77: {  	_ =	shalt  }
0x78: {  	_ =	shalt  }
0x79: {  	_ =	shalt  }
0x7a: {  	_ =	shalt  }
0x7b: {  	_ =	shalt  }
0x7c: {  	_ =	shalt  }
0x7d: {  	_ =	shalt  }
0x7e: {  	_ =	shalt  }
0x7f: {  	_ =	shalt  }
0x80: {  	_ =	shalt  }
0x81: {  	_ =	shalt  }
0x82: {  	_ =	shalt  }
0x83: {  	_ =	shalt  }
0x84: {  	_ =	shalt  }
0x85: {  	_ =	shalt  }
0x86: {  	_ =	shalt  }
0x87: {  	_ =	shalt  }
.Lfunc_end0:
.L_simem_size_0:
called_computation_lowered:
.L_overlay_start_0:
0x88: {  	s2 =	sld [smem:$0x3FD9]  }
0x89: {  	s3 =	sld [smem:$0x3FFE];
	_ =	sdelay $0x1  }
0x8a: {  	s1 =	srdreg.scid  }
0x8b: {  	s0 =	sand.u32 $0x1, s1  }
0x8c: {  	s18 =	sshll.u32 s0, $0xA;
	s2 =	sadd.s32 s3, s2  }
0x8d: {  	s2 =	sadd.s32 s2, s18  }
0x8e: {  	[smem:$0x3FC6] =	sst s2  }
0x8f: {  	_ = 	snop  }
0x90: {  	s2 =	sld [smem:$0x3FC9]  }
0x91: {  	s19 =	sld [smem:$0x3FC8]  }
0x92: {  	s4 =	sld [smem:$0x3FD0];
	(tm) =	ssettm $0x1  }
0x93: {  	s5 =	sld [smem:$0x3FFB];
	_ =	sdelay $0x3  }
0x94: {  	_ =	strace s5  }
0x95: {  	s5 =	sld [smem:$0x3FFC];
	_ =	sdelay $0x3  }
0x96: {  	_ =	strace s5  }
0x97: {  	s5 =	sld [smem:$0x3FFD];
	_ =	sdelay $0x3  }
0x98: {  	_ =	strace s5  }
0x99: {  	_ =	strace $0x8FFFFFFF  }
0x9a: {  	s20 =	sld [smem:$0x3FDB];
	_ =	sdelay $0x1  }
0x9b: {  	s6 =	simm.s32 $_scs_section_size  }
0x9c: {  	s7 =	simm.s32 $_size__tile_overlayer_lowered;
	s8 =	simm.s32 $_tile_overlayer_lowered  }
0x9d: {  	s23 =	simm.s32 $0x1BFF;
	s22 =	sshll.u32 s8, $0x1;
	s5 =	sadd.s32 s6, s20  }
0x9e: {  	s9 =	simm.s32 $0x0;
	s21 =	sshll.u32 s7, $0x1;
	s7 =	sadd.s32 s22, s5  }
0x9f: {  	[timem:s9], [sflag:s23] =	dma.local [hbm:s7], s21  }
0xa0: {  	_ =	swait.ge [sflag:s23], s21  }
0xa1: {  	s6 =	ssub.s32 $0x0, s21;
	[sflag:s23] =	ssyncset.done $0x0  }
0xa2: {  	[sflag:s23] =	ssyncadd.s32 s6;
	_ =	sdelay $0x1  }
0xa3: {  	s24 =	simm.s32 $0x1B8B  }
0xa4: {  	_ =	swait.ge [sflag:s24], $0x1  }
0xa5: {  	[sflag:s24] =	ssyncset.done $0x0  }
0xa6: {  	s25 =	simm.s32 $0x1B8E;
	[sflag:s24] =	ssyncadd.s32 $0xFFFFFFFF  }
0xa7: {  	s26 =	simm.s32 $execute0_lowered;
	[smem:$0x3FD2] =	sst s25  }
0xa8: {  	s6 =	sshll.u32 s26, $0x1;
	_ =	strace $0x80000046;
	[dreg:$0x1] =	wrdreg $0xFFFFFFFF  }
0xa9: {  	s28 =	simm.s32 $_size_execute0_lowered;
	s5 =	sadd.s32 s5, s6;
	[dreg:$0x0] =	wrdreg $0x0  }
0xaa: {  	s6 =	sshll.u32 s28, $0x1;
	[dreg:$0x2] =	wrdreg s5  }
0xab: {  	[dreg:$0x3] =	wrdreg s6  }
0xac: {  	[dreg:$0x4] =	wrdreg $0xC0  }
0xad: {  	_ =	task [dreg:s9], $0x5FFFF  }
0xae: {  	[dreg:$0x1] =	wrdreg $0xFFFFFFFF  }
0xaf: {  	[dreg:$0x0] =	wrdreg $0x60  }
0xb0: {  	[dreg:$0x2] =	wrdreg s2  }
0xb1: {  	[dreg:$0x3] =	wrdreg s19  }
0xb2: {  	[dreg:$0x4] =	wrdreg s4  }
0xb3: {  	[dreg:$0x5] =	wrdreg $0x9  }
0xb4: {  	_ =	task.clear_ibuf [dreg:s9], $0x6FFFF;
	_ =	strace $0x90000046  }
0xb5: {  	s29 =	simm.s32 $0x9;
	_ =	strace $0x80000048  }
0xb6: {  	_ =	swait.ge [sflag:s29], $0x1  }
0xb7: {  	[sflag:s29] =	ssyncadd.s32 $0xFFFFFFFF  }
0xb8: {  	_ =	strace $0x90000048  }
0xb9: {  	_ =	sfence  }
0xba: {  	s30 =	sld [smem:$0x0];
	_ =	sdelay $0x2  }
0xbb: {  	s31 =	sshll.u32 s1, $0xD;
	s1 =	sshrl.u32 s1, $0x2  }
0xbc: {  	s3 =	sand.u32 $0x4000, s31;
	s1 =	sadd.s32 s1, s30  }
0xbd: {  	s0 =	sor.u32 s3, s0;
	s1 =	sshll.u32 s1, $0x11  }
0xbe: {  	s0 =	sor.u32 s1, s0  }
0xbf: {  	s0 =	sadd.s32 $0x8F2B, s0  }
0xc0: {  	[sflag:s0] =	ssyncadd.remote.s32 $0x1  }
0xc1: {  	_ =	sfence.sel $0xFFFF  }
0xc2: {  	[dreg:$0x0] =	wrdreg $0xFFFFFFFF;
	(pc) =	sbr.abs _section_cstart, $3  }
0xc3: {  	[dreg:$0x1] =	wrdreg $0xFFFFFFFF  }
0xc4: {  	_ =	task.clear_ibuf [dreg:s9], $0x2FFFF;
	_ =	strace $0x9FFFFFFF  }
0xc5: {  	(tm) =	ssettm $0x7FFFFFFF  }
tec
execute0_lowered:
.L_overlay_start_1:
0x0: {  	(tag) =	ssettag $0x1  }
0x1: {  	s1 =	rddreg [dreg:$0x0]  }
0x2: {  	s0 =	srdreg.scid;
	s3 =	rddreg [dreg:$0x1]  }
0x3: {  	s4 =	stileid.u32;
	s2 =	rddreg [dreg:$0x2]  }
0x4: {  	s9 =	simm.s32 $0x80;
	s11 =	simm.s32 $0x1;
	s12 =	simm.s32 $0x18800  }
0x5: {  	s13 =	simm.s32 $0x1C800;
	s14 =	simm.s32 $0x1A800;
	s0 =	sand.u32 $0x1, s0  }
0x6: {  	s15 =	simm.s32 $0x1E800;
	s4 =	sshll.u32 s4, $0x7;
	s5 =	sshll.u32 s0, $0x6  }
0x7: {  	s16 =	simm.s32 $0x2;
	s17 =	simm.s32 $0x0;
	s4 =	sor.u32 s5, s4  }
0x8: {  	s0 =	ssub.s32 $0x2, s0;
	s5 =	simm.s32 $0x0;
	s6 =	sshrl.u32 s4, $0x3  }
0x9: {  	s7 =	sshrl.u32 s0, $0x1;
	[smem:$0x7FF] =	sst s5;
	s6 =	smul.u32 $0xC400, s6  }
0xa: {  	s0 =	ssub.s32 s0, s7;
	s31 =	sshll.u32 s4, $0x4;
	_ =	strace $0x80000047  }
0xb: {  	v0 =	vimm.s32 $0x0;
	v1 =	vlaneseq.u32;
	s7 =	sadd.s32 s2, s31;
	s8 =	smax.u32 s0, $0x1;
	s6 =	sadd.s32 s1, s6  }
.LBB2_1:
.Ltmp0:
0xc: {  	(pc) =	sbr.rel .LBB2_2-.Ltmp0, $3  }
0xd: {  	_ =	sdelay $0x1  }
0xe: {  	s0 =	simm.s32 $0x400;
	s18 =	simm.s32 $0x0  }
0xf: {  	[tilespmem:s5], [sflag:$0x1] =	stream.strided.gather [hbm4b:s6+s9], $0xC400, s0, s9, $0x38;
	[tilespmem:$0x1E880] =	vst v63  }
.LBB2_25:
0x10: {  	v6 =	vmov v7;
	s20 =	simm.s32 $0x18800;
	v12 =	vimm.s32 $0x0;
	v14 =	vimm.s32 $0x0  }
.LBB2_42:
0x11: {  	vm7 =	veq.s32 v6, v3;
	v18 =	vmpcnt.ones.xlane @p1 vm3  }
0x12: {  	v19 =	vsel vm7, $0x1, v0  }
0x13: {  	(xrf0) =	vadd.scan.msk.s32 $0xffff, v19  }
0x14: {  	v16 =	vand.u32 @p2 $0x7F, v16;
	vm1 =	vmmov @p0 vm1;
	v12 =	vadd.s32 @p1 v12, v18  }
0x15: {  	v17 =	vadd.s32 @p2 v2, v17;
	vm4 =	vmmov @p0 vm1;
	v12 =	vpsel p1, v12, v4;
	v18, _, _ =	vpop @p0 (xrf0)  }
0x16: {  	v16 =	vor.u32 @p2 v16, v17;
	v17 =	vadd.s32 @p0 v12, v18;
	v18 =	vmpcnt.ones.xlane @p0 vm4  }
0x17: {  	vm3 =	vlt.s32 @p2 v15, $0x0;
	vm8 =	vgt.s32 @p0 v10, v3;
	vm13 =	vgt.s32 v6, v3  }
0x18: {  	vm6 =	vmmov @p1 vm6;
	v20, _, _ =	vpop @p1 (xrf0);
	vm4 =	vle.s32 @p0 v17, v5;
	v12 =	vadd.s32 @p0 v12, v18  }
0x19: {  	vm15 =	vmmov vm7;
	vm1 =	vmand @p0 vm1, vm4;
	v58, _, _ =	vpop (xrf0);
	v12 =	vpsel p0, v12, v4  }
0x1a: {  	v19 =	vmpcnt.ones.xlane @p2 vm2;
	vm1 =	vmor @p0 vm8, vm1;
	v12 =	vadd.s32 v12, v58  }
0x1b: {  	vm0 =	vmmov @p1 vm6;
	v18 =	vsel @p0 vm1, $0x1, v0;
	vm12 =	vle.s32 v12, v5  }
0x1c: {  	v14 =	vadd.s32 @p2 v14, v19;
	v17 =	vxor.u32 @p2 $0x7FFFFFFF, v15;
	(xrf0) =	vadd.scan.msk.s32 @p0 $0xffff, v18;
	vm4 =	vmand vm15, vm12  }
0x1d: {  	v14 =	vpsel p2, v14, v4;
	v3 =	vsel @p2 vm3, v17, v15;
	vm14 =	vmor vm13, vm4  }
0x1e: {  	vm1 =	vmmov @p0 vm1;
	v5 =	vadd.s32 @p1 v20, v14;
	v59 =	vsel vm14, $0x1, v0  }
0x1f: {  	v15 =	vmpcnt.ones.xlane @p1 vm0;
	vm5 =	vmmov @p0 vm1;
	v5 =	vadd.s32 @p1 $0xFFFFFFFF, v5;
	(xrf0) =	vadd.scan.msk.s32 $0xffff, v59  }
0x20: {  	vm1 =	vmmov @p0 vm5;
	v12 =	vand.u32 @p1 $0xFFFFFF80, v5;
	v5 =	vpsel p1, v5, v11  }
0x21: {  	vm1 =	vmmov @p0 vm1;
	v11 =	vpsel p1, v12, v13;
	v12 =	vadd.s32 @p1 v14, v15  }
0x22: {  	s0 =	sadd.s32 @p3 $0x10, s20;
	s2 =	simm.s32 $0x18800;
	v7 =	vpsel p1, v9, v7;
	v13 =	vmpcnt.ones.xlane @p0 vm1;
	v12 =	vpsel p1, v12, v4;
	v9, _, _ =	vpop @p0 (xrf0)  }
0x23: {  	v8 =	vpsel p0, v10, v8;
	s2 =	smov.u32 @p3 s0;
	v5 =	vand.u32 @p1 $0x7F, v5;
	v9 =	vadd.s32 @p0 v9, v12  }
0x24: {  	v10 =	vld @p2 [tilespmem:s2+$0x0];
	s0 =	sadd.s32 @p2 $0x10, s2;
	s2 =	simm.s32 $0x18800;
	v11 =	vadd.s32 @p1 v2, v11;
	v12 =	vadd.s32 @p0 v12, v13;
	v9 =	vadd.s32 @p0 $0xFFFFFFFF, v9  }
0x25: {  	s2 =	smov.u32 @p2 s0;
	v5 =	vor.u32 @p1 v5, v11;
	v61 =	vpsel p0, v12, v4;
	v11 =	vand.u32 @p0 $0xFFFFFF80, v9;
	v60, _, _ =	vpop (xrf0)  }
0x26: {  	s0 =	sadd.s32 @p1 $0x10, s2;
	v12 =	vld @p1 [tilespmem:s2+$0x0];
	s2 =	simm.s32 $0x18800;
	v9 =	vpsel p0, v9, v0;
	v11 =	vpsel p0, v11, v0;
	v4 =	vadd.s32 v60, v61  }
0x27: {  	s2 =	smov.u32 @p1 s0;
	v9 =	vand.u32 @p0 $0x7F, v9;
	v11 =	vadd.s32 @p0 v2, v11;
	v4 =	vadd.s32 $0xFFFFFFFF, v4  }
0x28: {  	vm3 =	vmmov vm14;
	v13 =	vld @p0 [tilespmem:s2+$0x0];
	s0 =	sadd.s32 @p0 $0x10, s2;
	v9 =	vor.u32 @p0 v9, v11;
	v62 =	vand.u32 $0xFFFFFF80, v4  }
0x29: {  	[tilespmem:v16+s13+$0x0] =	vst.idx.msk @p2 vm2, v10;
	vm3 =	vmmov vm3;
	s19 =	smov.u32 @p0 s0;
	v4 =	vand.u32 $0x7F, v4;
	v2 =	vadd.s32 v2, v62  }
0x2a: {  	[tilespmem:v16+s14+$0x0] =	vst.idx.msk @p2 vm2, v3;
	vm2 =	vlt.s32 @p1 v7, $0x0;
	v3 =	vxor.u32 @p1 $0x7FFFFFFF, v7;
	v63 =	vld [tilespmem:s19+$0x0];
	v2 =	vor.u32 v4, v2  }
0x2b: {  	v3 =	vsel @p1 vm2, v3, v7;
	[tilespmem:v5+s13+$0x0] =	vst.idx.msk @p1 vm0, v12;
	v4 =	vpsel p0, v8, v0  }
0x2c: {  	[tilespmem:v5+s14+$0x0] =	vst.idx.msk @p1 vm0, v3;
	vm0 =	vlt.s32 @p0 v4, $0x0;
	v3 =	vxor.u32 @p0 $0x7FFFFFFF, v4  }
0x2d: {  	v3 =	vsel @p0 vm0, v3, v4;
	[tilespmem:v9+s13+$0x0] =	vst.idx.msk @p0 vm1, v13  }
0x2e: {  	vm15 =	vlt.s32 v6, $0x0;
	[tilespmem:v9+s14+$0x0] =	vst.idx.msk @p0 vm1, v3;
	v3 =	vxor.u32 $0x7FFFFFFF, v6  }
0x2f: {  	v3 =	vsel vm15, v3, v6;
	[tilespmem:v2+s13+$0x0] =	vst.idx.msk vm3, v63  }
0x30: {  	[tilespmem:v2+s14+$0x0] =	vst.idx.msk vm3, v3  }
.LBB2_43:
0x31: {  	p0 =	seq.s32 s18, $0x40  }
.Ltmp1:
0x32: {  	_ = 	snop;
	(pc) =	sbr.rel @p0 .LBB2_44-.Ltmp1, $1  }
0x33: {  	_ =	sdelay $0x3  }
.LBB2_2:
0x34: {  	p0 =	seq.s32 s18, $0x3F  }
0x35: {  	s0 =	sor.u32 @!p0 s4, s18  }
0x36: {  	s0 =	sadd.s32 @!p0 $0x1, s0  }
0x37: {  	s19 =	smov.u32 s18;
	s2 =	sshrl.u32 @!p0 s0, $0x3  }
0x38: {  	s18 =	sadd.s32 $0x1, s18;
	s0 =	sshll.u32 @!p0 s0, $0x7;
	s2 =	smul.u32 @!p0 $0x62000, s2  }
0x39: {  	s20 =	simm.s32 @!p0 $0x400;
	s10 =	sand.u32 @!p0 $0x1, s18;
	s0 =	sand.u32 @!p0 $0x380, s0  }
0x3a: {  	s30 =	sand.u32 $0x1, s19;
	p1 =	seq.s32 @!p0 s10, $0x1;
	s0 =	sor.u32 @!p0 s0, s2  }
0x3b: {  	p1 =	por !p1, p0;
	s2 =	simm.s32 @!p0 $0xC400;
	s0 =	sshrl.u32 @!p0 s0, $0x3  }
0x3c: {  	s10 =	simm.s32 @!p0 $0x80;
	s2 =	simm.s32 @p1 $0x0;
	s0 =	sadd.s32 @!p0 s1, s0  }
0x3d: {  	[tilespmem:s2], [sflag:$0x1] =	stream.strided.gather @!p0 [hbm4b:s0+s10], $0xC400, s20, s10, $0x38;
	[tilespmem:$0x1E880] =	vst v63  }
0x3e: {  	p0 =	seq.s32 s30, $0x1;
	s20 =	simm.s32 $0xC400;
	_ =	swait.ge [sflag:s11], $0xC400  }
0x3f: {  	s20 =	simm.s32 @!p0 $0x0;
	[sflag:s11] =	ssyncset.done $0x0  }
0x40: {  	s31 =	sor.u32 $0x80, s20;
	[sflag:s11] =	ssyncadd.s32 $0xFFFF3C00  }
0x41: {  	v2 =	vld [tilespmem:s31+$0x0]  }
0x42: {  	v3 =	vld [tilespmem:s31+$0x10]  }
0x43: {  	v4 =	vld [tilespmem:s31+$0x20]  }
0x44: {  	v5 =	vld [tilespmem:s31+$0x30]  }
0x45: {  	v7 =	vld [tilespmem:s31+$0x40]  }
0x46: {  	v6 =	vld [tilespmem:s31+$0x50]  }
0x47: {  	v9 =	vld [tilespmem:s31+$0x60]  }
0x48: {  	v10 =	vld [tilespmem:s31+$0xFFFFFF80]  }
0x49: {  	v11 =	vld [tilespmem:s31+$0xFFFFFF90]  }
0x4a: {  	v18 =	vld [tilespmem:s31+$0xFFFFFFA0]  }
0x4b: {  	v20 =	vld [tilespmem:s31+$0xFFFFFFB0]  }
0x4c: {  	v21 =	vld [tilespmem:s31+$0xFFFFFFC0]  }
0x4d: {  	v15 =	vld [tilespmem:s31+$0xFFFFFFD0]  }
0x4e: {  	v8 =	vimm.f32 $-Inf;
	v12 =	vimm.f32 $-Inf;
	v16 =	vld [tilespmem:s31+$0xFFFFFFE0]  }
0x4f: {  	v13 =	vimm.f32 $-Inf;
	v14 =	vimm.f32 $-Inf;
	v17 =	vld [tilespmem:s31+$0xFFFFFFF0];
	v22 =	vmax.f32 v8, v10  }
0x50: {  	s2 =	simm.s32 $0x0;
	s0 =	sshll.u32 s20, $0x2;
	s10 =	sadd.s32 $0x100, s31;
	v19 =	vld [tilespmem:s31+$0x70];
	v23 =	vmax.f32 v8, v11;
	v10 =	vimm.f32 $-Inf;
	v11 =	vimm.f32 $-Inf  }
.LBB2_3:
0x51: {  	v22 =	vmax.f32 v22, v2;
	v2 =	vld [tilespmem:s10+$0x0];
	v23 =	vmax.f32 v23, v3  }
0x52: {  	v8 =	vmax.f32 v8, v18;
	v10 =	vmax.f32 v10, v20;
	v11 =	vmax.f32 v11, v21;
	v3 =	vld [tilespmem:s10+$0x10]  }
0x53: {  	v8 =	vmax.f32 v8, v4;
	v10 =	vmax.f32 v10, v5;
	v11 =	vmax.f32 v11, v7;
	v4 =	vld [tilespmem:s10+$0x20]  }
0x54: {  	v12 =	vmax.f32 v12, v15;
	v13 =	vmax.f32 v13, v16;
	v5 =	vld [tilespmem:s10+$0x30];
	v14 =	vmax.f32 v14, v17  }
0x55: {  	v12 =	vmax.f32 v12, v6;
	v13 =	vmax.f32 v13, v9;
	v7 =	vld [tilespmem:s10+$0x40];
	v14 =	vmax.f32 v14, v19  }
0x56: {  	v6 =	vld [tilespmem:s10+$0x50]  }
0x57: {  	v9 =	vld [tilespmem:s10+$0x60]  }
0x58: {  	v19 =	vld [tilespmem:s10+$0xFFFFFF80]  }
0x59: {  	v24 =	vld [tilespmem:s10+$0xFFFFFF90]  }
0x5a: {  	s2 =	sadd.s32 $0x2, s2;
	v18 =	vld [tilespmem:s10+$0xFFFFFFA0]  }
0x5b: {  	p0 =	slt.u32 s2, $0x186;
	v20 =	vld [tilespmem:s10+$0xFFFFFFB0]  }
.Ltmp2:
0x5c: {  	v21 =	vld [tilespmem:s10+$0xFFFFFFC0];
	(pc) =	sbr.rel @p0 .LBB2_3-.Ltmp2, $4  }
0x5d: {  	v15 =	vld [tilespmem:s10+$0xFFFFFFD0]  }
0x5e: {  	v16 =	vld [tilespmem:s10+$0xFFFFFFE0]  }
0x5f: {  	v17 =	vld [tilespmem:s10+$0xFFFFFFF0]  }
0x60: {  	v22 =	vmax.f32 v22, v19;
	v23 =	vmax.f32 v23, v24;
	v19 =	vld [tilespmem:s10+$0x70];
	s10 =	sadd.s32 $0x100, s10  }
0x61: {  	v2 =	vmax.f32 v22, v2;
	v3 =	vmax.f32 v23, v3;
	v8 =	vmax.f32 v8, v18  }
0x62: {  	v10 =	vmax.f32 v10, v20;
	v11 =	vmax.f32 v11, v21;
	v4 =	vmax.f32 v8, v4  }
0x63: {  	v5 =	vmax.f32 v10, v5;
	v7 =	vmax.f32 v11, v7;
	v8 =	vmax.f32 v12, v15  }
0x64: {  	v10 =	vmax.f32 v13, v16;
	v8 =	vmax.f32 v8, v6;
	v11 =	vmax.f32 v14, v17  }
0x65: {  	v6 =	vmin.f32 v2, v7;
	v9 =	vmax.f32 v10, v9;
	v10 =	vmax.f32 v11, v19  }
0x66: {  	v11 =	vmin.f32 v3, v8;
	v12 =	vmin.f32 v4, v9;
	v13 =	vmin.f32 v5, v10  }
0x67: {  	s21 =	sshrl.u32 s0, $0x2;
	v6 =	vmin.f32 v6, v12;
	v11 =	vmin.f32 v11, v13  }
0x68: {  	s23 =	sadd.s32 $0x60, s21;
	v6 =	vmin.f32 v6, v11  }
0x69: {  	v15 =	vld [tilespmem:s23+$0xFFFFFFB0];
	(xrf0) =	vmin.scan.msk.f32 $0xffff, v6  }
0x6a: {  	v16 =	vld [tilespmem:s23+$0xFFFFFFC0]  }
0x6b: {  	v20 =	vld [tilespmem:s23+$0xFFFFFFF0]  }
0x6c: {  	v17 =	vld [tilespmem:s23+$0xFFFFFFD0]  }
0x6d: {  	v12 =	vld [tilespmem:s23+$0xFFFFFFA0]  }
0x6e: {  	v19 =	vld [tilespmem:s23+$0xFFFFFFE0]  }
0x6f: {  	v27 =	vld [tilespmem:s23+$0x40];
	v11, _, _ =	vpop (xrf0)  }
0x70: {  	s24 =	simm.s32 $0xB0;
	v18 =	vimm.s32 $0x0;
	s2 =	simm.s32 $0x10;
	s26 =	simm.s32 $0x0;
	v11 =	vbroadcast v11, $0xF  }
0x71: {  	s10 =	simm.s32 $0x20;
	v33 =	vor.u32 s26, v1;
	v14 =	vor.u32 s2, v1;
	v13 =	vor.u32 s24, v1  }
0x72: {  	s22 =	simm.s32 $0x80;
	vm10 =	vge.f32 v12, v11;
	v12 =	vor.u32 s10, v1;
	vm11 =	vge.f32 v15, v11  }
0x73: {  	s30 =	sand.u32 $0x1FF80, s22;
	vm1 =	vge.f32 v16, v11;
	vm0 =	vge.f32 v17, v11;
	vm2 =	vge.f32 v19, v11  }
0x74: {  	s31 =	sand.u32 $0x40, s26;
	s2 =	sadd.s32 s30, s20;
	v15 =	vld [tilespmem:s23+$0x0];
	vm3 =	vge.f32 v20, v11;
	vm9 =	vge.f32 v27, v11;
	v21 =	vmpcnt.ones.xlane vm10  }
0x75: {  	s2 =	sadd.s32 s31, s2;
	v16 =	vld [tilespmem:s23+$0x10];
	v27 =	vimm.s32 $0x0;
	v24 =	vsel vm10, $0x1, v0;
	v22 =	vmpcnt.ones.xlane vm11  }
0x76: {  	v17 =	vld [tilespmem:s2+$0x0];
	v25 =	vsel vm11, $0x1, v0;
	v29 =	vadd.s32 v18, v21;
	v21 =	vmpcnt.ones.xlane vm1  }
0x77: {  	v19 =	vld [tilespmem:s23+$0x30];
	v26 =	vmpcnt.ones.xlane vm2;
	v30 =	vadd.s32 v29, v22;
	v22 =	vmpcnt.ones.xlane vm0  }
0x78: {  	v20 =	vmpcnt.ones.xlane vm3;
	v27 =	vsel vm1, $0xFFFFFFFF, v27;
	v23 =	vadd.s32 v30, v21  }
0x79: {  	v28 =	vsel vm1, $0x1, v0;
	vm4 =	vge.f32 v15, v11;
	v15 =	vld [tilespmem:s23+$0x50];
	v21 =	vadd.s32 v23, v22  }
0x7a: {  	vm5 =	vge.f32 v16, v11;
	v22 =	vadd.s32 v21, v26;
	v26 =	vmpcnt.ones.xlane vm4  }
0x7b: {  	vm6 =	vge.f32 v17, v11;
	v16 =	vmpcnt.ones.xlane vm5;
	v20 =	vadd.s32 v22, v20  }
0x7c: {  	(xrf0) =	vadd.scan.msk.s32 $0xffff, v24;
	vm7 =	vge.f32 v19, v11;
	v17 =	vmpcnt.ones.xlane vm6;
	v24 =	vadd.s32 v20, v26  }
0x7d: {  	v31 =	vsel vm0, $0x1, v0;
	v19 =	vadd.s32 v24, v16;
	v16 =	vmpcnt.ones.xlane vm7  }
0x7e: {  	v32 =	vsel vm3, $0x1, v0;
	(xrf0) =	vadd.scan.msk.s32 $0xffff, v25;
	vm8 =	vge.f32 v15, v11;
	v25 =	vadd.s32 v19, v17  }
0x7f: {  	v38 =	vsel vm9, $0x1, v0;
	v26 =	vadd.s32 v25, v16;
	v16 =	vmpcnt.ones.xlane vm8  }
0x80: {  	[tilespmem:$0x1FFD0] =	vst v27;
	v27 =	vimm.s32 $0x0;
	v15 =	vsel vm6, $0x1, v0;
	v17 =	vmpcnt.ones.xlane vm9  }
0x81: {  	v27 =	vsel vm0, $0xFFFFFFFF, v27;
	v35 =	vsel vm4, $0x1, v0;
	(xrf0) =	vadd.scan.msk.s32 $0xffff, v15;
	v15 =	vimm.s32 $0x0  }
0x82: {  	[tilespmem:$0x1FFE0] =	vst v27;
	v15 =	vsel vm2, $0xFFFFFFFF, v15;
	(xrf0) =	vadd.scan.msk.s32 $0xffff, v28;
	v27 =	vadd.s32 v26, v17  }
0x83: {  	[tilespmem:$0x1FFF0] =	vst v15;
	v17 =	vsel vm2, $0x1, v0;
	v15 =	vadd.s32 v27, v16;
	v16, _, _ =	vpop (xrf0);
	(xrf0) =	vadd.scan.msk.s32 $0xffff, v31  }
0x84: {  	v36 =	vsel vm5, $0x1, v0;
	v37 =	vsel vm7, $0x1, v0;
	v34, _, _ =	vpop (xrf0);
	v16 =	vadd.s32 v16, v18;
	(xrf0) =	vadd.scan.msk.s32 $0xffff, v17  }
0x85: {  	s26 =	simm.s32 $0x40;
	v31 =	vsel vm8, $0x1, v0;
	v28 =	vadd.s32 $0xFFFFFFFF, v16;
	v16 =	vadd.s32 v34, v29;
	(xrf0) =	vadd.scan.msk.s32 $0xffff, v32  }
0x86: {  	s30 =	simm.s32 $0x50;
	v17 =	vor.u32 s26, v1;
	vm0 =	vlt.s32 v28, $0x1000;
	v34 =	vadd.s32 $0xFFFFFFFF, v16;
	(xrf0) =	vadd.scan.msk.s32 $0xffff, v35  }
0x87: {  	s25 =	simm.s32 $0x30;
	v18 =	vor.u32 s30, v1;
	v29, _, _ =	vpop (xrf0);
	vm10 =	vmand vm10, vm0;
	vm0 =	vlt.s32 v34, $0x1000;
	(xrf0) =	vadd.scan.msk.s32 $0xffff, v36  }
0x88: {  	s29 =	simm.s32 $0x0;
	s31 =	simm.s32 $0x60;
	v16 =	vor.u32 s25, v1;
	v29 =	vadd.s32 v29, v19;
	v19, _, _ =	vpop (xrf0);
	vm11 =	vmand vm11, vm0;
	(xrf0) =	vadd.scan.msk.s32 $0xffff, v37  }
0x89: {  	s28 =	simm.s32 $0xA0;
	s26 =	simm.s32 $0x70;
	s25 =	simm.s32 $0x90;
	v30 =	vadd.s32 v19, v30;
	v19 =	vor.u32 s31, v1;
	v29 =	vadd.s32 $0xFFFFFFFF, v29;
	v32, _, _ =	vpop (xrf0);
	(xrf0) =	vadd.scan.msk.s32 $0xffff, v38  }
.LBB2_5:
0x8a: {  	_ = 	snop  }
0x8b: {  	v30 =	vadd.s32 $0xFFFFFFFF, v30;
	v36 =	vadd.s32 v32, v23;
	vm13 =	vlt.s32 v29, $0x1000  }
0x8c: {  	v35, _, _ =	vpop (xrf0);
	(xrf0) =	vadd.scan.msk.s32 $0xffff, v31;
	v54 =	vor.u32 s22, v1;
	v38 =	vor.u32 s25, v1;
	v39 =	vor.u32 s28, v1  }
0x8d: {  	s24 =	sadd.s32 $0xC0, s24;
	vm12 =	vlt.s32 v30, $0x1000;
	v32 =	vadd.s32 $0xFFFFFFFF, v36;
	v35 =	vadd.s32 v35, v21;
	v23, _, _ =	vpop (xrf0)  }
0x8e: {  	[tilespmem:v34+s12+$0x0] =	vst.idx.msk vm11, v14;
	vm11 =	vmand vm6, vm13;
	s2 =	sadd.s32 $0xFFFFFF70, s24;
	v37 =	vor.u32 s24, v1;
	v23 =	vadd.s32 v23, v22;
	v22, _, _ =	vpop (xrf0)  }
0x8f: {  	s23 =	sadd.s32 $0xC0, s23;
	vm15 =	vlt.s32 v32, $0x1000;
	v31 =	vadd.s32 $0xFFFFFFFF, v35;
	v40 =	vor.u32 s2, v1;
	v21, _, _ =	vpop (xrf0)  }
0x90: {  	v52 =	vadd.s32 $0xFFFFFFFF, v23;
	v22 =	vadd.s32 v22, v20;
	v14 =	vadd.s32 v21, v24;
	v20, _, _ =	vpop (xrf0);
	v24 =	vld [tilespmem:s23+$0xFFFFFFB0]  }
0x91: {  	v53 =	vadd.s32 $0xFFFFFFFF, v22;
	v22 =	vadd.s32 $0xFFFFFFFF, v14;
	v14 =	vadd.s32 v20, v25;
	v20, _, _ =	vpop (xrf0);
	v25 =	vld [tilespmem:$0x1FFD0]  }
0x92: {  	vm14 =	vlt.s32 v22, $0x1000;
	v21 =	vadd.s32 $0xFFFFFFFF, v14;
	v14 =	vadd.s32 v20, v26;
	v20, _, _ =	vpop (xrf0);
	v26 =	vld [tilespmem:$0x1FFE0]  }
0x93: {  	vm2 =	vlt.s32 v21, $0x1000;
	v23 =	vadd.s32 $0xFFFFFFFF, v14;
	v14 =	vadd.s32 v20, v27  }
0x94: {  	v41 =	vld [tilespmem:s23+$0xFFFFFFF0];
	vm6 =	vlt.s32 v23, $0x1000;
	v20 =	vadd.s32 $0xFFFFFFFF, v14;
	vm13 =	vmand vm7, vm2  }
0x95: {  	[tilespmem:v29+s12+$0x0] =	vst.idx.msk vm11, v54;
	vm9 =	vmand vm9, vm6;
	vm2 =	vlt.s32 v20, $0x1000;
	vm11 =	vge.f32 v24, v11;
	v24 =	vld [tilespmem:s23+$0x0]  }
0x96: {  	s31 =	sadd.s32 $0xFFFFFF50, s24;
	vm5 =	vmand vm5, vm14;
	vm6 =	vnez.u8 v25;
	vm14 =	vmand vm8, vm2;
	v25 =	vld [tilespmem:s23+$0xFFFFFFC0]  }
0x97: {  	[tilespmem:v28+s12+$0x0] =	vst.idx.msk vm10, v33;
	v33 =	vor.u32 s31, v1;
	vm0 =	vlt.s32 v52, $0x1000;
	vm2 =	vnez.u8 v26;
	v26 =	vld [tilespmem:$0x1FFF0]  }
0x98: {  	vm10 =	vlt.s32 v31, $0x1000;
	vm1 =	vlt.s32 v53, $0x1000;
	v14 =	vld [tilespmem:s23+$0xFFFFFFA0];
	vm8 =	vmand vm3, vm0  }
0x99: {  	v55 =	vld [tilespmem:s23+$0xFFFFFFE0];
	v27 =	vor.u32 s26, v1;
	vm6 =	vmand vm6, vm12;
	vm12 =	vmand vm4, vm1  }
0x9a: {  	v59 =	vld [tilespmem:s23+$0x30];
	v57 =	vmpcnt.ones.xlane vm11;
	vm3 =	vge.f32 v41, v11;
	vm7 =	vmand vm2, vm15;
	[tilespmem:v21+s12+$0x0] =	vst.idx.msk vm13, v38  }
0x9b: {  	v62 =	vsel vm3, $0x1, v0;
	vm4 =	vge.f32 v24, v11;
	[tilespmem:v23+s12+$0x0] =	vst.idx.msk vm9, v39;
	v23 =	vsel vm11, $0x1, v0  }
0x9c: {  	s0 =	sadd.s32 $0xFFFFFF60, s24;
	vm1 =	vge.f32 v25, v11;
	vm2 =	vnez.u8 v26;
	v26 =	vld [tilespmem:s23+$0xFFFFFFD0];
	[tilespmem:v20+s12+$0x0] =	vst.idx.msk vm14, v13;
	v20 =	vmpcnt.ones.xlane vm3  }
0x9d: {  	s22 =	sadd.s32 $0xFFFFFFD0, s24;
	v25 =	vld [tilespmem:s23+$0x10];
	[tilespmem:v22+s12+$0x0] =	vst.idx.msk vm5, v27;
	vm15 =	vmand vm2, vm10;
	vm10 =	vge.f32 v14, v11;
	v14 =	vor.u32 s0, v1  }
0x9e: {  	s26 =	sand.u32 $0x1FF80, s22;
	[tilespmem:v52+s12+$0x0] =	vst.idx.msk vm8, v18;
	vm2 =	vge.f32 v55, v11;
	v29 =	vsel vm10, $0x1, v0;
	v56 =	vmpcnt.ones.xlane vm10  }
0x9f: {  	v28 =	vmovc v15;
	s25 =	sand.u32 $0x40, s31;
	s26 =	sadd.s32 s26, s20;
	v60 =	vld [tilespmem:s23+$0x50];
	[tilespmem:v53+s12+$0x0] =	vst.idx.msk vm12, v19;
	v19 =	vimm.s32 $0x0;
	v13 =	vmpcnt.ones.xlane vm2;
	(xrf0) =	vadd.scan.msk.s32 $0xffff, v29  }
0xa0: {  	s25 =	sadd.s32 s25, s26;
	[tilespmem:v32+s12+$0x0] =	vst.idx.msk vm7, v16;
	vm7 =	vge.f32 v59, v11;
	v29 =	vadd.s32 v15, v56;
	v15 =	vmpcnt.ones.xlane vm1  }
0xa1: {  	v19 =	vsel vm1, $0xFFFFFFFF, v19;
	(xrf0) =	vadd.scan.msk.s32 $0xffff, v23;
	vm0 =	vge.f32 v26, v11;
	v26 =	vld [tilespmem:s25+$0x0];
	v35 =	vadd.s32 v29, v57  }
0xa2: {  	[tilespmem:v30+s12+$0x0] =	vst.idx.msk vm6, v12;
	vm5 =	vge.f32 v25, v11;
	v58 =	vmpcnt.ones.xlane vm0;
	v23 =	vadd.s32 v35, v15;
	v15 =	vld [tilespmem:s23+$0x40]  }
0xa3: {  	[tilespmem:$0x1FFD0] =	vst v19;
	v19 =	vsel vm1, $0x1, v0;
	v36 =	vsel vm7, $0x1, v0;
	v12 =	vmpcnt.ones.xlane vm5  }
0xa4: {  	vm8 =	vge.f32 v60, v11;
	[tilespmem:v31+s12+$0x0] =	vst.idx.msk vm15, v17;
	v31 =	vmpcnt.ones.xlane vm7;
	v21 =	vadd.s32 v23, v58  }
0xa5: {  	v18 =	vmpcnt.ones.xlane vm8;
	v22 =	vadd.s32 v21, v13;
	v13 =	vmpcnt.ones.xlane vm4;
	v30, _, _ =	vpop (xrf0)  }
0xa6: {  	v20 =	vadd.s32 v22, v20;
	vm6 =	vge.f32 v26, v11;
	v28 =	vadd.s32 v30, v28  }
0xa7: {  	v16, _, _ =	vpop (xrf0);
	v24 =	vadd.s32 v20, v13;
	v27 =	vmpcnt.ones.xlane vm6;
	vm9 =	vge.f32 v15, v11  }
0xa8: {  	v17 =	vsel vm6, $0x1, v0;
	v28 =	vadd.s32 $0xFFFFFFFF, v28;
	v16 =	vadd.s32 v16, v29  }
0xa9: {  	v61 =	vadd.s32 v24, v12;
	v15 =	vmpcnt.ones.xlane vm9;
	(xrf0) =	vadd.scan.msk.s32 $0xffff, v17;
	v17 =	vsel vm2, $0x1, v0  }
0xaa: {  	v63 =	vsel vm9, $0x1, v0;
	v25 =	vadd.s32 v61, v27;
	v27 =	vimm.s32 $0x0  }
0xab: {  	(xrf0) =	vadd.scan.msk.s32 $0xffff, v19;
	v26 =	vadd.s32 v25, v31;
	v27 =	vsel vm0, $0xFFFFFFFF, v27;
	v31 =	vsel vm0, $0x1, v0  }
0xac: {  	s29 =	sadd.s32 $0xC, s29;
	[tilespmem:$0x1FFE0] =	vst v27;
	v27 =	vadd.s32 v26, v15;
	v15 =	vimm.s32 $0x0;
	(xrf0) =	vadd.scan.msk.s32 $0xffff, v31  }
0xad: {  	p0 =	slt.u32 s29, $0xC30;
	v34 =	vadd.s32 $0xFFFFFFFF, v16;
	v19 =	vsel vm5, $0x1, v0;
	v15 =	vsel vm2, $0xFFFFFFFF, v15;
	(xrf0) =	vadd.scan.msk.s32 $0xffff, v17  }
.Ltmp3:
0xae: {  	s30 =	sadd.s32 $0xFFFFFF80, s24;
	v12 =	vmovc v40;
	[tilespmem:$0x1FFF0] =	vst v15;
	v15 =	vadd.s32 v27, v18;
	v18 =	vsel vm4, $0x1, v0;
	(xrf0) =	vadd.scan.msk.s32 $0xffff, v62;
	(pc) =	sbr.rel @p0 .LBB2_5-.Ltmp3, $4  }
0xaf: {  	s0 =	sadd.s32 $0xFFFFFF90, s24;
	v16 =	vor.u32 s30, v1;
	v13 =	vmovc v37;
	vm0 =	vlt.s32 v28, $0x1000;
	v31 =	vsel vm8, $0x1, v0;
	(xrf0) =	vadd.scan.msk.s32 $0xffff, v18  }
0xb0: {  	s10 =	sadd.s32 $0xFFFFFFA0, s24;
	vm10 =	vmand vm10, vm0;
	vm0 =	vlt.s32 v34, $0x1000;
	v17 =	vor.u32 s0, v1;
	(xrf0) =	vadd.scan.msk.s32 $0xffff, v19;
	v19, _, _ =	vpop (xrf0)  }
0xb1: {  	s2 =	sadd.s32 $0xFFFFFFB0, s24;
	vm11 =	vmand vm11, vm0;
	v18 =	vor.u32 s10, v1;
	v29 =	vadd.s32 v19, v61;
	v19, _, _ =	vpop (xrf0);
	(xrf0) =	vadd.scan.msk.s32 $0xffff, v36  }
0xb2: {  	s28 =	sadd.s32 $0xFFFFFFF0, s24;
	s26 =	sadd.s32 $0xFFFFFFC0, s24;
	s25 =	sadd.s32 $0xFFFFFFE0, s24;
	v30 =	vadd.s32 v19, v35;
	v19 =	vor.u32 s2, v1;
	v29 =	vadd.s32 $0xFFFFFFFF, v29;
	v32, _, _ =	vpop (xrf0);
	(xrf0) =	vadd.scan.msk.s32 $0xffff, v63  }
0xb3: {  	_ =	sdelay $0x1  }
0xb4: {  	v35, _, _ =	vpop (xrf0);
	(xrf0) =	vadd.scan.msk.s32 $0xffff, v31  }
0xb5: {  	v60, _, _ =	vpop (xrf0)  }
0xb6: {  	v36, _, _ =	vpop (xrf0)  }
0xb7: {  	v62 =	vld [tilespmem:$0x1FFD0];
	[tilespmem:v28+s12+$0x0] =	vst.idx.msk vm10, v33;
	v37, _, _ =	vpop (xrf0)  }
0xb8: {  	vm0 =	vlt.s32 v29, $0x1000;
	v30 =	vadd.s32 $0xFFFFFFFF, v30;
	[tilespmem:v34+s12+$0x0] =	vst.idx.msk vm11, v14;
	v38, _, _ =	vpop (xrf0)  }
0xb9: {  	v23 =	vadd.s32 v32, v23;
	v63 =	vor.u32 s28, v1;
	vm1 =	vmand vm6, vm0;
	v14 =	vld [tilespmem:$0x1FFE0];
	v39, _, _ =	vpop (xrf0)  }
0xba: {  	vm15 =	vlt.s32 v30, $0x1000;
	v25 =	vadd.s32 v38, v25;
	v26 =	vadd.s32 v39, v26;
	v61, _, _ =	vpop (xrf0)  }
0xbb: {  	v25 =	vadd.s32 $0xFFFFFFFF, v25;
	v27 =	vadd.s32 v61, v27;
	v26 =	vadd.s32 $0xFFFFFFFF, v26  }
0xbc: {  	vm14 =	vlt.s32 v25, $0x1000;
	vm2 =	vlt.s32 v26, $0x1000;
	v27 =	vadd.s32 $0xFFFFFFFF, v27  }
0xbd: {  	vm2 =	vmand vm9, vm2;
	vm9 =	vnez.u8 v62;
	vm12 =	vlt.s32 v27, $0x1000  }
0xbe: {  	vm6 =	vmand vm9, vm15;
	vm15 =	vnez.u8 v14;
	v14 =	vor.u32 s22, v1  }
0xbf: {  	v21 =	vadd.s32 v35, v21;
	vm0 =	vmand vm7, vm14;
	vm7 =	vmand vm8, vm12;
	[tilespmem:v29+s12+$0x0] =	vst.idx.msk vm1, v14  }
0xc0: {  	v23 =	vadd.s32 $0xFFFFFFFF, v23;
	v22 =	vadd.s32 v60, v22;
	v24 =	vadd.s32 v37, v24;
	v28 =	vld [tilespmem:$0x1FFF0]  }
0xc1: {  	v20 =	vadd.s32 v36, v20;
	v24 =	vadd.s32 $0xFFFFFFFF, v24;
	vm14 =	vlt.s32 v23, $0x1000  }
0xc2: {  	vm13 =	vlt.s32 v24, $0x1000;
	vm8 =	vmand vm15, vm14;
	v14 =	vadd.s32 $0xFFFFFFFF, v22  }
0xc3: {  	v20 =	vadd.s32 $0xFFFFFFFF, v20;
	vm5 =	vmand vm5, vm13;
	vm14 =	vlt.s32 v14, $0x1000  }
0xc4: {  	v21 =	vadd.s32 $0xFFFFFFFF, v21;
	vm15 =	vlt.s32 v20, $0x1000;
	[tilespmem:v26+s12+$0x0] =	vst.idx.msk vm2, v63;
	vm2 =	vmand vm3, vm14  }
0xc5: {  	vm12 =	vlt.s32 v21, $0x1000;
	vm3 =	vmand vm4, vm15;
	[tilespmem:v27+s12+$0x0] =	vst.idx.msk vm7, v13;
	vm13 =	vnez.u8 v28  }
0xc6: {  	v13 =	vor.u32 s25, v1;
	[tilespmem:v30+s12+$0x0] =	vst.idx.msk vm6, v12;
	vm1 =	vmand vm13, vm12  }
0xc7: {  	[tilespmem:v25+s12+$0x0] =	vst.idx.msk vm0, v13  }
0xc8: {  	v13 =	vor.u32 s26, v1;
	[tilespmem:v23+s12+$0x0] =	vst.idx.msk vm8, v16  }
0xc9: {  	[tilespmem:v24+s12+$0x0] =	vst.idx.msk vm5, v13  }
0xca: {  	[tilespmem:v14+s12+$0x0] =	vst.idx.msk vm2, v18  }
0xcb: {  	[tilespmem:v20+s12+$0x0] =	vst.idx.msk vm3, v19  }
0xcc: {  	s0 =	sadd.s32 $0xC3C0, s21;
	s2 =	simm.s32 $0xC3C0;
	[tilespmem:v21+s12+$0x0] =	vst.idx.msk vm1, v17  }
.LBB2_7:
0xcd: {  	v12 =	vld [tilespmem:s0+$0x0];
	_ =	sdelay $0x4  }
0xce: {  	vm0 =	vge.f32 v12, v11  }
0xcf: {  	v12 =	vsel vm0, $0x1, v0  }
0xd0: {  	(xrf0) =	vadd.scan.msk.s32 $0xffff, v12;
	_ =	sdelay $0x5  }
0xd1: {  	v12, _, _ =	vpop (xrf0)  }
0xd2: {  	v12 =	vadd.s32 v12, v15  }
0xd3: {  	v12 =	vadd.s32 $0xFFFFFFFF, v12  }
0xd4: {  	vm1 =	vlt.s32 v12, $0x1000  }
0xd5: {  	vm1 =	vmand vm0, vm1  }
0xd6: {  	p0 =	sne.s32 s2, $0xC3F0  }
.Ltmp4:
0xd7: {  	_ = 	snop;
	(pc) =	sbr.rel @p0 .LBB2_7-.Ltmp4, $4  }
0xd8: {  	_ = 	snop  }
0xd9: {  	v13 =	vmpcnt.ones.xlane vm0  }
0xda: {  	v14 =	vor.u32 s2, v1  }
0xdb: {  	s0 =	sadd.s32 $0x10, s0;
	s2 =	sadd.s32 $0x10, s2;
	v15 =	vadd.s32 v15, v13;
	[tilespmem:v12+s12+$0x0] =	vst.idx.msk vm1, v14  }
0xdc: {  	v2 =	vmax.f32 v2, v7  }
0xdd: {  	v3 =	vmax.f32 v3, v8;
	v4 =	vmax.f32 v4, v9;
	v5 =	vmax.f32 v5, v10  }
0xde: {  	v2 =	vmax.f32 v2, v4;
	v3 =	vmax.f32 v3, v5  }
0xdf: {  	v2 =	vmax.f32 v2, v3  }
0xe0: {  	v3 =	vshra.s32 v2, $0x1F  }
0xe1: {  	v63 =	vshra.s32 v6, $0x1F;
	v3 =	vor.u32 $0x80000000, v3  }
0xe2: {  	v2 =	vxor.u32 v2, v3;
	v3 =	vor.u32 $0x80000000, v63  }
0xe3: {  	(xrf0) =	vmax.scan.msk.u32 $0xffff, v2;
	v2 =	vxor.u32 v6, v3  }
0xe4: {  	(xrf0) =	vmin.scan.msk.u32 $0xffff, v2;
	v2 =	vxor.u32 $0x80000000, v15  }
0xe5: {  	(xrf0) =	vmax.scan.msk.u32 $0xffff, v2;
	_ =	sdelay $0x3  }
0xe6: {  	v2, _, _ =	vpop (xrf0)  }
0xe7: {  	v3, _, _ =	vpop (xrf0);
	(v2sf) =	vpush v2, $0xF  }
0xe8: {  	(v2sf) =	vpush v3, $0xF;
	v2, _, _ =	vpop (xrf0)  }
0xe9: {  	(v2sf) =	vpush v2, $0xF;
	_ =	sdelay $0xc  }
0xea: {  	s23 =	spop (v2sf)  }
0xeb: {  	s22 =	spop (v2sf)  }
0xec: {  	s0 =	spop (v2sf)  }
0xed: {  	s0 =	sxor.u32 $0x80000000, s0  }
0xee: {  	p0 =	slt.s32 s0, $0x1000  }
0xef: {  	p1 =	slt.s32 s0, $0xFFFFFFF2;
	s0 =	simm.s32 @!p0 $0x1000  }
0xf0: {  	s2 =	sadd.s32 $0xF, s0  }
0xf1: {  	s10 =	sand.u32 $0xF, s2  }
0xf2: {  	s31 =	sshra.s32 s2, $0x1F;
	p6 =	sne.s32 s10, $0x0  }
0xf3: {  	s10 =	sshrl.u32 s31, $0x1C;
	p0 =	por !p1, !p6  }
0xf4: {  	s2 =	sadd.s32 s10, s2;
	s10 =	simm.s32 $0x1;
	p0 =	por !p0, !p0  }
0xf5: {  	s2 =	sshra.s32 s2, $0x4;
	s10 =	simm.s32 @!p0 $0x0  }
0xf6: {  	s21 =	ssub.s32 s2, s10  }
0xf7: {  	p0 =	slt.s32 s21, $0x1  }
.Ltmp5:
0xf8: {  	_ = 	snop;
	(pc) =	sbr.rel @p0 .LBB2_20-.Ltmp5, $1  }
0xf9: {  	_ =	sdelay $0x3  }
0xfa: {  	s31 =	simm.s32 $0x18800  }
0xfb: {  	p4 =	seq.s32 s21, $0x1;
	v2 =	vld [tilespmem:s31+$0x0]  }
.Ltmp6:
0xfc: {  	_ = 	snop;
	(pc) =	sbr.rel @p4 .LBB2_10-.Ltmp6, $4  }
0xfd: {  	s2 =	simm.s32 $0x0  }
0xfe: {  	v3 =	vmov s0;
	v4 =	vor.u32 s2, v1  }
0xff: {  	s24 =	simm.s32 $0x19800;
	s0 =	sadd.s32 $0xFFFFFFFF, s21;
	p1 =	por $0x0, $0x0;
	vm0 =	vlt.s32 v4, v3  }
0x100: {  	p2 =	por $0x0, $0x0;
	p3 =	por $0x0, $0x0;
	s2 =	simm.s32 $0x18810;
	v2 =	vnsel vm0, $0x0, v2  }
0x101: {  	v5 =	vld [tilespmem:s2+$0x0];
	p4 =	seq.s32 s0, $0x1  }
.Ltmp7:
0x102: {  	_ = 	snop;
	(pc) =	sbr.rel @p4 .LBB2_12-.Ltmp7, $4  }
0x103: {  	s31 =	simm.s32 $0x10  }
0x104: {  	v4 =	vor.u32 s31, v1  }
0x105: {  	vm1 =	vmmov vm0;
	vm0 =	vlt.s32 v4, v3  }
0x106: {  	s0 =	sadd.s32 $0xFFFFFFFF, s0;
	s2 =	simm.s32 $0x18820;
	p1 =	por $0x1, $0x1;
	v4 =	vld.idx.msk [tilespmem:v2+s20+$0x0], $0xffff;
	v2 =	vnsel vm0, $0x0, v5  }
0x107: {  	v6 =	vld [tilespmem:s2+$0x0];
	p4 =	seq.s32 s0, $0x1  }
.Ltmp8:
0x108: {  	_ = 	snop;
	(pc) =	sbr.rel @p4 .LBB2_14-.Ltmp8, $4  }
0x109: {  	s31 =	simm.s32 $0x20  }
0x10a: {  	vm2 =	vmmov vm1;
	vm1 =	vmmov vm0;
	v5 =	vor.u32 s31, v1  }
0x10b: {  	vm0 =	vlt.s32 v5, v3;
	vm3 =	vlt.s32 v4, $0x0;
	v7 =	vxor.u32 $0x7FFFFFFF, v4  }
0x10c: {  	s0 =	sadd.s32 $0xFFFFFFFF, s0;
	s2 =	simm.s32 $0x18830;
	p2 =	por $0x1, $0x1;
	v5 =	vld.idx.msk [tilespmem:v2+s20+$0x0], $0xffff;
	v2 =	vnsel vm0, $0x0, v6;
	v4 =	vsel vm3, v7, v4  }
0x10d: {  	v6 =	vld [tilespmem:s2+$0x0];
	p4 =	seq.s32 s0, $0x1  }
.Ltmp9:
0x10e: {  	_ = 	snop;
	(pc) =	sbr.rel @p4 .LBB2_16-.Ltmp9, $4  }
0x10f: {  	vm3 =	vmmov vm1;
	s2 =	simm.s32 $0x30  }
0x110: {  	v8 =	vnsel vm2, $0x80000000, v4;
	vm1 =	vmmov vm0;
	v7 =	vor.u32 s2, v1  }
0x111: {  	s10 =	sadd.s32 $0xFFFFFFFF, s0;
	vm0 =	vlt.s32 v7, v3;
	vm4 =	vlt.s32 v5, $0x0;
	v9 =	vxor.u32 $0x7FFFFFFF, v5  }
0x112: {  	s25 =	simm.s32 $0x18840;
	p3 =	por $0x1, $0x1;
	s0 =	simm.s32 $0x19800;
	[tilespmem:s24+$0x0] =	vst v8;
	v7 =	vld.idx.msk [tilespmem:v2+s20+$0x0], $0xffff;
	v2 =	vnsel vm0, $0x0, v6;
	v6 =	vsel vm4, v9, v5  }
.LBB2_17:
0x113: {  	v5 =	vld [tilespmem:s25+$0x0];
	p4 =	seq.s32 s10, $0x1;
	s10 =	sadd.s32 $0xFFFFFFFF, s10;
	v6 =	vnsel vm3, $0x80000000, v6;
	s0 =	sadd.s32 $0x10, s0;
	vm3 =	vmmov vm1;
	vm1 =	vmmov vm0  }
.Ltmp10:
0x114: {  	[tilespmem:s0+$0x0] =	vst v6;
	(pc) =	sbr.rel @!p4 .LBB2_17-.Ltmp10, $4  }
0x115: {  	s2 =	sadd.s32 $0x10, s2  }
0x116: {  	v6 =	vor.u32 s2, v1  }
0x117: {  	vm0 =	vlt.s32 v6, v3;
	vm4 =	vlt.s32 v7, $0x0;
	v6 =	vxor.u32 $0x7FFFFFFF, v7;
	v8 =	vmovc v7;
	v7 =	vld.idx.msk [tilespmem:v2+s20+$0x0], $0xffff  }
0x118: {  	s25 =	sadd.s32 $0x10, s25;
	v6 =	vsel vm4, v6, v8;
	v2 =	vnsel vm0, $0x0, v5  }
0x119: {  	_ =	sdelay $0x2  }
0x11a: {  	v5 =	vmov v7  }
.LBB2_19:
0x11b: {  	_ =	sdelay $0x3  }
0x11c: {  	v2 =	vld.idx.msk [tilespmem:v2+s20+$0x0], $0xffff;
	_ =	sdelay $0x1  }
0x11d: {  	s0 =	sadd.s32 @p3 $0x10, s0;
	s2 =	simm.s32 $0x19800;
	vm4 =	vlt.s32 @p1 v5, $0x0  }
0x11e: {  	v3 =	vxor.u32 @p1 $0x7FFFFFFF, v5;
	vm1 =	vmmov @p1 vm1;
	vm0 =	vmmov vm0;
	s2 =	smov.u32 @p3 s0  }
0x11f: {  	s10 =	simm.s32 $0x19800;
	v3 =	vsel @p1 vm4, v3, v5;
	v5 =	vnsel @p2 vm3, $0x80000000, v6;
	vm2 =	vmmov @p1 vm1;
	s0 =	sadd.s32 @p2 $0x10, s2  }
0x120: {  	v3 =	vpsel p1, v3, v4;
	s10 =	smov.u32 @p2 s0;
	vm15 =	vlt.s32 v2, $0x0;
	v63 =	vxor.u32 $0x7FFFFFFF, v2  }
0x121: {  	vm0 =	vmmov vm0;
	[tilespmem:s2+$0x0] =	vst @p2 v5;
	v3 =	vnsel @p1 vm2, $0x80000000, v3;
	s0 =	sadd.s32 @p1 $0x10, s10;
	v2 =	vsel vm15, v63, v2  }
0x122: {  	[tilespmem:s10+$0x0] =	vst @p1 v3;
	s24 =	smov.u32 @p1 s0;
	v2 =	vnsel vm0, $0x80000000, v2  }
0x123: {  	[tilespmem:s24+$0x0] =	vst v2  }
.LBB2_20:
0x124: {  	s0 =	sxor.u32 $0x80000000, s23;
	s2 =	sadd.s32 $0x7FFFFFFF, s22  }
0x125: {  	s20 =	ssub.s32 s0, s2  }
0x126: {  	p1 =	sgt.s32 s20, $0x1  }
.Ltmp11:
0x127: {  	_ = 	snop;
	(pc) =	sbr.rel @p1 .LBB2_26-.Ltmp11, $1  }
0x128: {  	_ =	sdelay $0x3  }
.LBB2_21:
.Ltmp12:
0x129: {  	(pc) =	sbr.rel @p0 .LBB2_43-.Ltmp12, $1  }
0x12a: {  	_ =	sdelay $0x3  }
0x12b: {  	s31 =	simm.s32 $0x19800  }
0x12c: {  	p0 =	sne.s32 s21, $0x1;
	v4 =	vld [tilespmem:s31+$0x0]  }
.Ltmp13:
0x12d: {  	_ = 	snop;
	(pc) =	sbr.rel @!p0 .LBB2_24-.Ltmp13, $3  }
0x12e: {  	_ =	sdelay $0x1  }
0x12f: {  	v3 =	vmov s0  }
0x130: {  	v2 =	vimm.s32 $0x0;
	s0 =	sadd.s32 $0xFFFFFFFF, s21;
	s2 =	simm.s32 $0x19810;
	vm0 =	vgt.s32 v4, v3  }
.LBB2_23:
0x131: {  	v4 =	vld [tilespmem:s2+$0x0];
	p0 =	sne.s32 s0, $0x1;
	s0 =	sadd.s32 $0xFFFFFFFF, s0;
	v5 =	vmpcnt.ones.xlane vm0  }
.Ltmp14:
0x132: {  	(pc) =	sbr.rel @p0 .LBB2_23-.Ltmp14, $2  }
0x133: {  	v2 =	vadd.s32 v2, v5;
	_ =	sdelay $0x2  }
0x134: {  	s2 =	sadd.s32 $0x10, s2;
	vm0 =	vgt.s32 v4, v3  }
.LBB2_24:
0x135: {  	v4 =	vmpcnt.ones.xlane vm0;
	_ =	sdelay $0x1  }
0x136: {  	v2 =	vadd.s32 v2, v4  }
0x137: {  	v2 =	vxor.u32 $0x80000000, v2  }
0x138: {  	(xrf0) =	vmax.scan.msk.u32 $0xffff, v2;
	_ =	sdelay $0x5  }
0x139: {  	v2, _, _ =	vpop (xrf0)  }
0x13a: {  	(v2sf) =	vpush v2, $0xF;
	_ =	sdelay $0xc  }
0x13b: {  	s10 =	simm.s32 $0x19800;
	p4 =	seq.s32 s21, $0x1  }
.Ltmp15:
0x13c: {  	v7 =	vld [tilespmem:s10+$0x0];
	(pc) =	sbr.rel @p4 .LBB2_25-.Ltmp15, $4  }
0x13d: {  	v2 =	vmov s19;
	s0 =	spop (v2sf)  }
0x13e: {  	p0 =	por $0x0, $0x0;
	v2 =	vshll.u32 v2, $0x7;
	s0 =	sxor.u32 $0x80000000, s0  }
0x13f: {  	p1 =	por $0x0, $0x0;
	p2 =	por $0x0, $0x0;
	v2 =	vbroadcast v2, $0x0;
	s2 =	ssub.s32 $0x80, s0  }
0x140: {  	p3 =	por $0x0, $0x0;
	v4 =	vimm.s32 $0x0;
	s19 =	simm.s32 $0x18800;
	s0 =	sadd.s32 $0xFFFFFFFF, s21;
	v5 =	vmov s2  }
0x141: {  	p4 =	seq.s32 s0, $0x1  }
.Ltmp16:
0x142: {  	_ = 	snop;
	(pc) =	sbr.rel @p4 .LBB2_34-.Ltmp16, $4  }
0x143: {  	vm1 =	veq.s32 v7, v3  }
0x144: {  	v6 =	vsel vm1, $0x1, v0  }
0x145: {  	s2 =	simm.s32 $0x19810;
	(xrf0) =	vadd.scan.msk.s32 $0xffff, v6  }
0x146: {  	s0 =	sadd.s32 $0xFFFFFFFF, s0;
	p0 =	por $0x1, $0x1;
	v8 =	vld [tilespmem:s2+$0x0]  }
0x147: {  	_ =	sdelay $0x3  }
0x148: {  	v6, _, _ =	vpop (xrf0)  }
0x149: {  	p4 =	seq.s32 s0, $0x1;
	v6 =	vadd.s32 v4, v6  }
.Ltmp17:
0x14a: {  	vm3 =	vmmov vm1;
	vm0 =	vle.s32 v6, v5;
	(pc) =	sbr.rel @p4 .LBB2_36-.Ltmp17, $4  }
0x14b: {  	vm2 =	vgt.s32 v7, v3;
	vm1 =	veq.s32 v8, v3;
	vm0 =	vmand vm3, vm0  }
0x14c: {  	v6 =	vsel vm1, $0x1, v0;
	vm0 =	vmor vm2, vm0  }
0x14d: {  	s2 =	simm.s32 $0x19820;
	(xrf0) =	vadd.scan.msk.s32 $0xffff, v6;
	v6 =	vsel vm0, $0x1, v0  }
0x14e: {  	s0 =	sadd.s32 $0xFFFFFFFF, s0;
	p1 =	por $0x1, $0x1;
	v9 =	vld [tilespmem:s2+$0x0];
	vm6 =	vmmov vm0;
	(xrf0) =	vadd.scan.msk.s32 $0xffff, v6  }
0x14f: {  	_ =	sdelay $0x1  }
0x150: {  	v6 =	vmpcnt.ones.xlane vm3;
	_ =	sdelay $0x1  }
0x151: {  	v12 =	vadd.s32 v4, v6;
	v10, _, _ =	vpop (xrf0)  }
0x152: {  	v6 =	vadd.s32 v12, v10  }
0x153: {  	p4 =	seq.s32 s0, $0x1  }
.Ltmp18:
0x154: {  	vm4 =	vmmov vm1;
	vm0 =	vle.s32 v6, v5;
	(pc) =	sbr.rel @p4 .LBB2_38-.Ltmp18, $4  }
0x155: {  	vm2 =	vgt.s32 v8, v3;
	vm1 =	veq.s32 v9, v3;
	vm0 =	vmand vm4, vm0;
	v6, _, _ =	vpop (xrf0)  }
0x156: {  	v10 =	vsel vm1, $0x1, v0;
	vm2 =	vmor vm2, vm0;
	v6 =	vadd.s32 v6, v4  }
0x157: {  	s2 =	simm.s32 $0x19830;
	(xrf0) =	vadd.scan.msk.s32 $0xffff, v10;
	v13 =	vsel vm2, $0x1, v0;
	v11 =	vadd.s32 $0xFFFFFFFF, v6  }
0x158: {  	p2 =	por $0x1, $0x1;
	v10 =	vld [tilespmem:s2+$0x0];
	s2 =	sadd.s32 $0xFFFFFFFF, s0;
	vm0 =	vmmov vm6;
	vm5 =	vmmov vm2;
	(xrf0) =	vadd.scan.msk.s32 $0xffff, v13;
	v13 =	vand.u32 $0xFFFFFF80, v11  }
0x159: {  	_ = 	snop  }
0x15a: {  	v14 =	vand.u32 $0x7F, v11;
	v15 =	vadd.s32 v2, v13  }
0x15b: {  	v6 =	vmpcnt.ones.xlane vm4;
	v16 =	vld [tilespmem:s19+$0x0];
	v15 =	vor.u32 v14, v15;
	_ =	sdelay $0x1  }
0x15c: {  	v12 =	vadd.s32 v12, v6;
	v14, _, _ =	vpop (xrf0)  }
0x15d: {  	vm3 =	vmmov vm1;
	v6 =	vadd.s32 v12, v14  }
0x15e: {  	vm2 =	vlt.s32 v7, $0x0;
	vm6 =	vle.s32 v6, v5;
	v6 =	vxor.u32 $0x7FFFFFFF, v7  }
0x15f: {  	p4 =	seq.s32 s2, $0x1;
	s0 =	simm.s32 $0x19840;
	vm1 =	veq.s32 v10, v3;
	v14 =	vmpcnt.ones.xlane vm0;
	[tilespmem:v15+s13+$0x0] =	vst.idx.msk vm0, v16;
	v6 =	vsel vm2, v6, v7  }
.Ltmp19:
0x160: {  	v18 =	vsel vm1, $0x1, v0;
	[tilespmem:v15+s14+$0x0] =	vst.idx.msk vm0, v6;
	v6 =	vld [tilespmem:s0+$0x0];
	(pc) =	sbr.rel @p4 .LBB2_40-.Ltmp19, $4  }
0x161: {  	vm7 =	vgt.s32 v9, v3;
	v17, _, _ =	vpop (xrf0);
	(xrf0) =	vadd.scan.msk.s32 $0xffff, v18;
	vm6 =	vmand vm3, vm6;
	v14 =	vadd.s32 v4, v14  }
0x162: {  	vm6 =	vmor vm7, vm6;
	v17 =	vadd.s32 v17, v14  }
0x163: {  	v18 =	vsel vm6, $0x1, v0;
	v16 =	vadd.s32 $0xFFFFFFFF, v17  }
0x164: {  	s2 =	sadd.s32 $0xFFFFFFFF, s2;
	p3 =	por $0x1, $0x1;
	s20 =	simm.s32 $0x18800;
	vm2 =	vmmov vm5;
	v15 =	vmovc v8;
	vm6 =	vmmov vm6;
	(xrf0) =	vadd.scan.msk.s32 $0xffff, v18;
	v17 =	vand.u32 $0xFFFFFF80, v16  }
.LBB2_41:
0x165: {  	p4 =	seq.s32 s2, $0x1;
	v18 =	vmpcnt.ones.xlane vm3;
	v20 =	vand.u32 $0x7F, v16;
	v17 =	vadd.s32 v2, v17;
	s20 =	sadd.s32 $0x10, s20  }
0x166: {  	vm3 =	vmmov vm1;
	v19 =	vld [tilespmem:s20+$0x0];
	v17 =	vor.u32 v20, v17  }
0x167: {  	vm7 =	vlt.s32 v15, $0x0;
	v16, _, _ =	vpop (xrf0);
	v12 =	vadd.s32 v12, v18  }
0x168: {  	vm1 =	veq.s32 v6, v3;
	v18 =	vmpcnt.ones.xlane vm2;
	v16 =	vadd.s32 v12, v16  }
.Ltmp20:
0x169: {  	v21 =	vsel vm1, $0x1, v0;
	vm8 =	vle.s32 v16, v5;
	v16 =	vxor.u32 $0x7FFFFFFF, v15;
	(pc) =	sbr.rel @!p4 .LBB2_41-.Ltmp20, $4  }
0x16a: {  	vm9 =	vgt.s32 v10, v3;
	v14 =	vadd.s32 v14, v18;
	(xrf0) =	vadd.scan.msk.s32 $0xffff, v21;
	vm8 =	vmand vm3, vm8;
	v20, _, _ =	vpop (xrf0)  }
0x16b: {  	s0 =	sadd.s32 $0x10, s0;
	vm8 =	vmor vm9, vm8;
	v18 =	vadd.s32 v20, v14;
	v20 =	vsel vm7, v16, v15;
	[tilespmem:v17+s13+$0x0] =	vst.idx.msk vm2, v19  }
0x16c: {  	v15 =	vmovc v9;
	v9 =	vmovc v10;
	v10 =	vmov v6;
	v19 =	vsel vm8, $0x1, v0;
	v16 =	vadd.s32 $0xFFFFFFFF, v18;
	[tilespmem:v17+s14+$0x0] =	vst.idx.msk vm2, v20;
	v6 =	vld [tilespmem:s0+$0x0]  }
0x16d: {  	s2 =	sadd.s32 $0xFFFFFFFF, s2;
	vm2 =	vmmov vm6;
	vm6 =	vmmov vm8;
	(xrf0) =	vadd.scan.msk.s32 $0xffff, v19;
	v17 =	vand.u32 $0xFFFFFF80, v16  }
.Ltmp21:
0x16e: {  	_ = 	snop;
	(pc) =	sbr.rel .LBB2_42-.Ltmp21, $1  }
0x16f: {  	_ =	sdelay $0x3  }
.LBB2_27:
0x170: {  	v2 =	vimm.s32 $0x80000000  }
.LBB2_29:
0x171: {  	(xrf0) =	vmax.scan.msk.u32 $0xffff, v2;
	_ =	sdelay $0x5  }
0x172: {  	v2, _, _ =	vpop (xrf0)  }
0x173: {  	(v2sf) =	vpush v2, $0xF;
	_ =	sdelay $0xe  }
0x174: {  	s20 =	spop (v2sf)  }
0x175: {  	p1 =	sgt.u32 s20, $0x8000007F  }
0x176: {  	s2 =	smov.u32 @p1 s10;
	s10 =	smov.u32 @p1 s0  }
0x177: {  	s20 =	ssub.s32 s10, s2  }
0x178: {  	p1 =	sgt.s32 s20, $0x1  }
.Ltmp22:
0x179: {  	_ = 	snop;
	(pc) =	sbr.rel @!p1 .LBB2_21-.Ltmp22, $2  }
0x17a: {  	_ =	sdelay $0x2  }
0x17b: {  	s0 =	smov.u32 s10  }
.LBB2_26:
.Ltmp23:
0x17c: {  	(pc) =	sbr.rel @p0 .LBB2_27-.Ltmp23, $3  }
0x17d: {  	_ =	sdelay $0x1  }
0x17e: {  	s10 =	sshrl.u32 s20, $0x1  }
0x17f: {  	s10 =	sadd.s32 s2, s10  }
0x180: {  	s20 =	simm.s32 $0x19800  }
0x181: {  	p1 =	seq.s32 s21, $0x1;
	v4 =	vld [tilespmem:s20+$0x0]  }
.Ltmp24:
0x182: {  	_ = 	snop;
	(pc) =	sbr.rel @p1 .LBB2_32-.Ltmp24, $3  }
0x183: {  	_ =	sdelay $0x1  }
0x184: {  	v3 =	vmov s10  }
0x185: {  	v2 =	vimm.s32 $0x0;
	s22 =	simm.s32 $0x19810;
	s20 =	sadd.s32 $0xFFFFFFFF, s21;
	vm0 =	vgt.s32 v4, v3  }
.LBB2_31:
0x186: {  	v4 =	vld [tilespmem:s22+$0x0];
	p1 =	seq.s32 s20, $0x1;
	s20 =	sadd.s32 $0xFFFFFFFF, s20;
	v5 =	vmpcnt.ones.xlane vm0  }
.Ltmp25:
0x187: {  	(pc) =	sbr.rel @!p1 .LBB2_31-.Ltmp25, $2  }
0x188: {  	v2 =	vadd.s32 v2, v5;
	_ =	sdelay $0x2  }
0x189: {  	s22 =	sadd.s32 $0x10, s22;
	vm0 =	vgt.s32 v4, v3  }
.LBB2_32:
0x18a: {  	v3 =	vmpcnt.ones.xlane vm0;
	_ =	sdelay $0x1  }
0x18b: {  	v2 =	vadd.s32 v2, v3  }
.Ltmp26:
0x18c: {  	(pc) =	sbr.rel .LBB2_29-.Ltmp26, $2  }
0x18d: {  	_ =	sdelay $0x2  }
0x18e: {  	v2 =	vxor.u32 $0x80000000, v2  }
.LBB2_10:
.Ltmp27:
0x18f: {  	(pc) =	sbr.rel .LBB2_19-.Ltmp27, $2  }
0x190: {  	_ =	sdelay $0x2  }
0x191: {  	s0 =	simm.s32 $0x19800  }
.LBB2_12:
.Ltmp28:
0x192: {  	_ = 	snop;
	(pc) =	sbr.rel .LBB2_19-.Ltmp28, $2  }
0x193: {  	_ =	sdelay $0x2  }
0x194: {  	s0 =	simm.s32 $0x19800;
	v5 =	vmov v4  }
.LBB2_34:
.Ltmp29:
0x195: {  	_ = 	snop;
	(pc) =	sbr.rel .LBB2_42-.Ltmp29, $2  }
0x196: {  	_ =	sdelay $0x2  }
0x197: {  	v10 =	vmovc v7;
	s20 =	simm.s32 $0x18800;
	v12 =	vimm.s32 $0x0;
	v14 =	vimm.s32 $0x0;
	v6 =	vmov v8  }
.LBB2_14:
.Ltmp30:
0x198: {  	(pc) =	sbr.rel .LBB2_19-.Ltmp30, $2  }
0x199: {  	_ =	sdelay $0x2  }
0x19a: {  	vm3 =	vmmov vm2;
	v6 =	vmov v4;
	s0 =	simm.s32 $0x19800  }
.LBB2_36:
.Ltmp31:
0x19b: {  	_ = 	snop;
	(pc) =	sbr.rel .LBB2_42-.Ltmp31, $2  }
0x19c: {  	_ =	sdelay $0x2  }
0x19d: {  	v10 =	vmovc v8;
	s20 =	simm.s32 $0x18800;
	v12 =	vimm.s32 $0x0;
	v14 =	vimm.s32 $0x0;
	v6 =	vmovc v9;
	v9 =	vmov v7  }
.LBB2_16:
.Ltmp32:
0x19e: {  	_ = 	snop;
	(pc) =	sbr.rel .LBB2_19-.Ltmp32, $2  }
0x19f: {  	_ =	sdelay $0x2  }
0x1a0: {  	s0 =	simm.s32 $0x19800;
	v5 =	vmov v7  }
.LBB2_38:
.Ltmp33:
0x1a1: {  	_ = 	snop;
	(pc) =	sbr.rel .LBB2_42-.Ltmp33, $3  }
0x1a2: {  	_ =	sdelay $0x1  }
0x1a3: {  	vm3 =	vmmov vm4;
	v16 =	vmovc v11;
	v17 =	vmovc v13;
	v15 =	vmov v7;
	vm2 =	vmmov vm0  }
0x1a4: {  	s20 =	simm.s32 $0x18800;
	v14 =	vimm.s32 $0x0;
	vm6 =	vmmov vm5;
	v6 =	vmovc v10;
	v10 =	vmovc v9;
	v9 =	vmov v8  }
.LBB2_40:
.Ltmp34:
0x1a5: {  	(pc) =	sbr.rel .LBB2_42-.Ltmp34, $2  }
0x1a6: {  	_ =	sdelay $0x2  }
0x1a7: {  	s20 =	simm.s32 $0x18800;
	v15 =	vmov v8  }
.LBB2_44:
0x1a8: {  	s0 =	simm.s32 $0x1C800  }
0x1a9: {  	[tilespmem:s15], [sflag:$0x2] =	stream.indirect.gather [hbm4b:s3+s9], $0x1, s0, s9, $0xb8;
	[tilespmem:$0x1E880] =	vst v63  }
0x1aa: {  	_ =	swait.ge [sflag:s16], $0x80  }
0x1ab: {  	[sflag:s16] =	ssyncset.done $0x0  }
0x1ac: {  	s18 =	simm.s32 $0x0;
	[sflag:s16] =	ssyncadd.s32 $0xFFFFFF80  }
0x1ad: {  	v2 =	vld [tilespmem:s18+$0x1A800]  }
0x1ae: {  	v3 =	vld [tilespmem:$0x1E800];
	_ =	sdelay $0x4  }
0x1af: {  	v2 =	vadd.f32 v3, v2;
	_ =	sdelay $0x1  }
0x1b0: {  	v4 =	vld [tilespmem:s18+$0x1A810];
	[tilespmem:s18+$0x1A800] =	vst v2  }
0x1b1: {  	v2 =	vld [tilespmem:$0x1E810];
	_ =	sdelay $0x4  }
0x1b2: {  	v2 =	vadd.f32 v2, v4;
	_ =	sdelay $0x1  }
0x1b3: {  	v5 =	vld [tilespmem:s18+$0x1A820];
	[tilespmem:s18+$0x1A810] =	vst v2  }
0x1b4: {  	v2 =	vld [tilespmem:$0x1E820];
	_ =	sdelay $0x4  }
0x1b5: {  	v2 =	vadd.f32 v2, v5;
	_ =	sdelay $0x1  }
0x1b6: {  	v6 =	vld [tilespmem:s18+$0x1A830];
	[tilespmem:s18+$0x1A820] =	vst v2  }
0x1b7: {  	v2 =	vld [tilespmem:$0x1E830];
	_ =	sdelay $0x4  }
0x1b8: {  	v2 =	vadd.f32 v2, v6;
	_ =	sdelay $0x1  }
0x1b9: {  	v7 =	vld [tilespmem:s18+$0x1A840];
	[tilespmem:s18+$0x1A830] =	vst v2  }
0x1ba: {  	v2 =	vld [tilespmem:$0x1E840];
	_ =	sdelay $0x4  }
0x1bb: {  	v2 =	vadd.f32 v2, v7;
	_ =	sdelay $0x1  }
0x1bc: {  	v3 =	vld [tilespmem:s18+$0x1A850];
	[tilespmem:s18+$0x1A840] =	vst v2  }
0x1bd: {  	v2 =	vld [tilespmem:$0x1E850];
	_ =	sdelay $0x4  }
0x1be: {  	v2 =	vadd.f32 v2, v3;
	_ =	sdelay $0x1  }
0x1bf: {  	v8 =	vld [tilespmem:s18+$0x1A860];
	[tilespmem:s18+$0x1A850] =	vst v2  }
0x1c0: {  	v2 =	vld [tilespmem:$0x1E860];
	_ =	sdelay $0x4  }
0x1c1: {  	v2 =	vadd.f32 v2, v8;
	_ =	sdelay $0x1  }
0x1c2: {  	v63 =	vld [tilespmem:s18+$0x1A870];
	[tilespmem:s18+$0x1A860] =	vst v2  }
0x1c3: {  	v2 =	vld [tilespmem:$0x1E870];
	_ =	sdelay $0x4  }
0x1c4: {  	s19 =	simm.s32 $0x200;
	s20 =	simm.s32 $0x400;
	v2 =	vadd.f32 v2, v63  }
.LBB2_45:
0x1c5: {  	p0 =	sne.s32 s20, $0x7E00  }
0x1c6: {  	s0 =	sshra.s32 s19, $0x2;
	s19 =	smov.u32 s20;
	s20 =	sadd.s32 $0x200, s20  }
0x1c7: {  	s2 =	sadd.s32 $0x1C800, s0;
	[tilespmem:s18+$0x1A870] =	vst v2;
	s18 =	smov.u32 s0  }
0x1c8: {  	[tilespmem:s15], [sflag:$0x2] =	stream.indirect.gather [hbm4b:s3+s9], $0x1, s2, s9, $0xb8;
	[tilespmem:$0x1E880] =	vst v63  }
0x1c9: {  	_ =	swait.ge [sflag:s16], $0x80  }
0x1ca: {  	[sflag:s16] =	ssyncset.done $0x0  }
0x1cb: {  	[sflag:s16] =	ssyncadd.s32 $0xFFFFFF80  }
0x1cc: {  	v2 =	vld [tilespmem:s18+$0x1A800]  }
0x1cd: {  	v3 =	vld [tilespmem:$0x1E800]  }
0x1ce: {  	v4 =	vld [tilespmem:s18+$0x1A810]  }
0x1cf: {  	v5 =	vld [tilespmem:s18+$0x1A820]  }
0x1d0: {  	v6 =	vld [tilespmem:s18+$0x1A830]  }
0x1d1: {  	v7 =	vld [tilespmem:s18+$0x1A840]  }
0x1d2: {  	v2 =	vadd.f32 v3, v2;
	v3 =	vld [tilespmem:s18+$0x1A850]  }
0x1d3: {  	v8 =	vld [tilespmem:s18+$0x1A860]  }
0x1d4: {  	[tilespmem:s18+$0x1A800] =	vst v2;
	v2 =	vld [tilespmem:s18+$0x1A870]  }
0x1d5: {  	v9 =	vld [tilespmem:$0x1E810];
	_ =	sdelay $0x4  }
0x1d6: {  	v4 =	vadd.f32 v9, v4;
	_ =	sdelay $0x1  }
0x1d7: {  	[tilespmem:s18+$0x1A810] =	vst v4  }
0x1d8: {  	v4 =	vld [tilespmem:$0x1E820];
	_ =	sdelay $0x4  }
0x1d9: {  	v4 =	vadd.f32 v4, v5;
	_ =	sdelay $0x1  }
0x1da: {  	[tilespmem:s18+$0x1A820] =	vst v4  }
0x1db: {  	v4 =	vld [tilespmem:$0x1E830];
	_ =	sdelay $0x4  }
0x1dc: {  	v4 =	vadd.f32 v4, v6;
	_ =	sdelay $0x1  }
0x1dd: {  	[tilespmem:s18+$0x1A830] =	vst v4  }
0x1de: {  	v4 =	vld [tilespmem:$0x1E840];
	_ =	sdelay $0x4  }
0x1df: {  	v4 =	vadd.f32 v4, v7;
	_ =	sdelay $0x1  }
0x1e0: {  	[tilespmem:s18+$0x1A840] =	vst v4  }
0x1e1: {  	v4 =	vld [tilespmem:$0x1E850];
	_ =	sdelay $0x4  }
0x1e2: {  	v3 =	vadd.f32 v4, v3;
	_ =	sdelay $0x1  }
0x1e3: {  	[tilespmem:s18+$0x1A850] =	vst v3  }
0x1e4: {  	v3 =	vld [tilespmem:$0x1E860];
	_ =	sdelay $0x4  }
0x1e5: {  	v3 =	vadd.f32 v3, v8;
	_ =	sdelay $0x1  }
0x1e6: {  	[tilespmem:s18+$0x1A860] =	vst v3  }
0x1e7: {  	v3 =	vld [tilespmem:$0x1E870]  }
.Ltmp35:
0x1e8: {  	(pc) =	sbr.rel @p0 .LBB2_45-.Ltmp35, $2  }
0x1e9: {  	_ =	sdelay $0x2  }
0x1ea: {  	v2 =	vadd.f32 v3, v2  }
0x1eb: {  	s0 =	sshra.s32 s19, $0x2  }
0x1ec: {  	s2 =	sadd.s32 $0x1C800, s0;
	[tilespmem:s18+$0x1A870] =	vst v2  }
0x1ed: {  	[tilespmem:s15], [sflag:$0x2] =	stream.indirect.gather [hbm4b:s3+s9], $0x1, s2, s9, $0xb8;
	[tilespmem:$0x1E880] =	vst v63  }
0x1ee: {  	_ =	swait.ge [sflag:s16], $0x80  }
0x1ef: {  	[sflag:s16] =	ssyncset.done $0x0  }
0x1f0: {  	[sflag:s16] =	ssyncadd.s32 $0xFFFFFF80  }
0x1f1: {  	v2 =	vld [tilespmem:s0+$0x1A800]  }
0x1f2: {  	v3 =	vld [tilespmem:$0x1E800];
	_ =	sdelay $0x4  }
0x1f3: {  	v2 =	vadd.f32 v3, v2;
	_ =	sdelay $0x1  }
0x1f4: {  	v3 =	vld [tilespmem:s0+$0x1A810];
	[tilespmem:s0+$0x1A800] =	vst v2  }
0x1f5: {  	v2 =	vld [tilespmem:$0x1E810];
	_ =	sdelay $0x4  }
0x1f6: {  	v2 =	vadd.f32 v2, v3;
	_ =	sdelay $0x1  }
0x1f7: {  	v3 =	vld [tilespmem:s0+$0x1A820];
	[tilespmem:s0+$0x1A810] =	vst v2  }
0x1f8: {  	v2 =	vld [tilespmem:$0x1E820];
	_ =	sdelay $0x4  }
0x1f9: {  	v2 =	vadd.f32 v2, v3;
	_ =	sdelay $0x1  }
0x1fa: {  	v3 =	vld [tilespmem:s0+$0x1A830];
	[tilespmem:s0+$0x1A820] =	vst v2  }
0x1fb: {  	v2 =	vld [tilespmem:$0x1E830];
	_ =	sdelay $0x4  }
0x1fc: {  	v2 =	vadd.f32 v2, v3;
	_ =	sdelay $0x1  }
0x1fd: {  	v3 =	vld [tilespmem:s0+$0x1A840];
	[tilespmem:s0+$0x1A830] =	vst v2  }
0x1fe: {  	v2 =	vld [tilespmem:$0x1E840];
	_ =	sdelay $0x4  }
0x1ff: {  	v2 =	vadd.f32 v2, v3;
	_ =	sdelay $0x1  }
0x200: {  	v3 =	vld [tilespmem:s0+$0x1A850];
	[tilespmem:s0+$0x1A840] =	vst v2  }
0x201: {  	v2 =	vld [tilespmem:$0x1E850];
	_ =	sdelay $0x4  }
0x202: {  	v2 =	vadd.f32 v2, v3;
	_ =	sdelay $0x1  }
0x203: {  	v3 =	vld [tilespmem:s0+$0x1A860];
	[tilespmem:s0+$0x1A850] =	vst v2  }
0x204: {  	v2 =	vld [tilespmem:$0x1E860];
	_ =	sdelay $0x4  }
0x205: {  	v2 =	vadd.f32 v2, v3;
	_ =	sdelay $0x1  }
0x206: {  	v3 =	vld [tilespmem:s0+$0x1A870];
	[tilespmem:s0+$0x1A860] =	vst v2  }
0x207: {  	v2 =	vld [tilespmem:$0x1E870];
	_ =	sdelay $0x4  }
0x208: {  	s17 =	sadd.s32 $0x1, s17;
	v2 =	vadd.f32 v2, v3  }
0x209: {  	p0 =	sne.s32 s17, s8  }
.Ltmp36:
0x20a: {  	[tilespmem:s0+$0x1A870] =	vst v2;
	(pc) =	sbr.rel @p0 .LBB2_1-.Ltmp36, $4  }
0x20b: {  	[hbm4b:s7+s5] =	stream.linear.scatter [tilespmem:s14], [sflag:$0x2], $0x2000, $0x38;
	[tilespmem:$0x1E880] =	vst v63  }
0x20c: {  	_ =	swait.ge [sflag:s16], $0x2000  }
0x20d: {  	[sflag:s16] =	ssyncset.done $0x0  }
0x20e: {  	[sflag:s16] =	ssyncadd.s32 $0xFFFFE000  }
0x20f: {  	_ =	sfence.sel $0x180000  }
0x210: {  	[bflag:$0x0] =	sbarrier.arrive $0xFFFF  }
0x211: {  	_ =	strace $0x90000047  }
0x212: {  	s0 =	stileid.u32;
	[bflag:$0x2] =	sbarrier.arrive $0xFFFF  }
0x213: {  	p0 =	sne.s32 s0, $0x0;
	s0 =	rddreg [dreg:$0x3]  }
0x214: {  	s0 =	sadd.s32 @!p0 $0x100000, s0  }
0x215: {  	[sflag:s0] =	ssyncadd.tile.s32 @!p0 $0x1;
	_ =	shalt  }
.Lfunc_end2:
_tile_overlayer_lowered:
.L_overlay_start_2:
0x216: {  	(tag) =	ssettag $0x2  }
0x217: {  	s0 =	rddreg [dreg:$0x0];
	s2 =	stileid.u32  }
0x218: {  	s1 =	rddreg [dreg:$0x1];
	p0 =	sne.s32 s2, $0x0  }
0x219: {  	s3 =	rddreg [dreg:$0x2];
	[bflag:$0x3] =	sbarrier.arrive $0xFFFF;
	s2 =	simm.s32 @!p0 $0x1C02  }
0x21a: {  	[timem:s3], [sflag:s2] =	dma.local @!p0 [hbm:s0], s1  }
0x21b: {  	s0 =	simm.s32 @!p0 $0x2  }
0x21c: {  	_ =	swait.ge @!p0 [sflag:s0], s1  }
0x21d: {  	s1 =	ssub.s32 @!p0 $0x0, s1;
	[sflag:s0] =	ssyncset.done @!p0 $0x0  }
0x21e: {  	[sflag:s0] =	ssyncadd.s32 @!p0 s1  }
0x21f: {  	[bflag:$0x3] =	sbarrier.arrive $0xFFFF  }
0x220: {  	_ =	shalt  }

</sc_bundles>
